<compile_context>
chip_gen: v7x
topology: tpu7x:2x2x1
jax: 0.10.2.dev20260603
libtpu: 0.0.44.dev20260713+nightly
codegen_flags: <defaults>
</compile_context>

<pallas_src>
import jax
import jax.numpy as jnp
from jax import lax
from jax.experimental import pallas as pl
from jax.experimental.pallas import tpu as pltpu
from jax.experimental.pallas import tpu_sc as plsc

_VOCAB = 100000
_SEQ = 200
_DIM = 128
_BATCH = 1024
_NC = 2
_NS = 16
_NW = _NC * _NS
_ROWS = _BATCH * _SEQ
_RPW = _ROWS // _NW
_CH = 128
_NCHUNK = _RPW // _CH
_NB = 5
_LANES = 16


def _body(table_hbm, idx_hbm, pos_hbm, out_hbm, *scratch):
    pos_v, idx_v = scratch[0], scratch[1]
    rows = scratch[2:2 + _NB]
    gs = scratch[2 + _NB:2 + 2 * _NB]
    ss = scratch[2 + 2 * _NB:2 + 3 * _NB]

    wid = lax.axis_index("s") * _NC + lax.axis_index("c")
    base = wid * _RPW

    pltpu.sync_copy(idx_hbm.at[wid], idx_v)

    def gather_start(c, b):
        pltpu.async_copy(table_hbm.at[idx_v.at[c]], rows[b], gs[b])

    def gather_wait(c, b):
        pltpu.make_async_copy(table_hbm.at[idx_v.at[c]], rows[b], gs[b]).wait()

    def store_start(c, b):
        pltpu.async_copy(rows[b], out_hbm.at[pl.ds(base + c * _CH, _CH)], ss[b])

    def store_wait(c, b):
        pltpu.make_async_copy(
            rows[b], out_hbm.at[pl.ds(base + c * _CH, _CH)], ss[b]).wait()

    def add_pos(c, b):
        p0 = lax.rem(c * _CH, _SEQ)

        @plsc.parallel_loop(0, _CH, 1, unroll=4)
        def _row(r):
            pr = p0 + r
            pr = lax.select(pr >= _SEQ, pr - _SEQ, pr)
            for j in range(_DIM // _LANES):
                sl = pl.ds(j * _LANES, _LANES)
                plsc.addupdate(rows[b].at[r, sl], pos_v[pr, sl])

    for b in range(_NB - 2):
        gather_start(b, b)
    pltpu.sync_copy(pos_hbm, pos_v)

    _LOOK = _NB - 2

    def outer(g, carry):
        for b in range(_NB):
            c = g * _NB + b
            gather_wait(c, b)

            nb_buf = (b + _LOOK) % _NB
            nc = c + _LOOK

            @pl.when(jnp.logical_and(c >= _NB - _LOOK, nc < _NCHUNK))
            def _():
                store_wait(c - (_NB - _LOOK), nb_buf)
                gather_start(nc, nb_buf)

            @pl.when(jnp.logical_and(c < _NB - _LOOK, nc < _NCHUNK))
            def _():
                gather_start(nc, nb_buf)

            add_pos(c, b)
            store_start(c, b)
        return carry

    lax.fori_loop(0, _NCHUNK // _NB, outer, 0)

    for c in range(_NCHUNK - _NB, _NCHUNK):
        store_wait(c, c % _NB)


def kernel(input, W_vocab, W_pos):
    idx = input.reshape(_NW, _NCHUNK, _CH).astype(jnp.int32)
    mesh = plsc.VectorSubcoreMesh(
        core_axis_name="c", subcore_axis_name="s",
        num_cores=_NC, num_subcores=_NS)
    out = pl.kernel(
        _body,
        out_type=jax.ShapeDtypeStruct((_ROWS, _DIM), jnp.float32),
        mesh=mesh,
        scratch_types=(
            [pltpu.VMEM((_SEQ, _DIM), jnp.float32),
             pltpu.VMEM((_NCHUNK, _CH), jnp.int32)]
            + [pltpu.VMEM((_CH, _DIM), jnp.float32) for _ in range(_NB)]
            + [pltpu.SemaphoreType.DMA for _ in range(2 * _NB)]
        ),
    )(W_vocab, idx, W_pos)
    return out.reshape(_BATCH, _SEQ, _DIM)

# --- scband reference (transcript-rebuilt; emitter-appended) ---
"""Pipeline reference for scband-initial-embedding-new-53257594470477 (READ-ONLY COPY).

The authoritative reference and input builder live on the scoring server;
editing this copy changes nothing except your own understanding.
"""

import jax, jax.numpy as jnp
import numpy as np

VOCAB = 100000
SEQ = 200
DIM = 128
BATCH = 1024

def setup_inputs(seed: int = 0) -> dict:
    key = jax.random.key(seed)
    k1, k2, k3 = jax.random.split(key, 3)
    input_ids = jax.random.randint(k1, (BATCH, SEQ), 0, VOCAB, dtype=jnp.int64 if jax.config.jax_enable_x64 else jnp.int32)
    W_vocab = jax.random.normal(k2, (VOCAB, DIM), dtype=jnp.float32) * 0.1
    W_pos = jax.random.normal(k3, (SEQ, DIM), dtype=jnp.float32) * 0.1
    return {"input": input_ids, "W_vocab": W_vocab, "W_pos": W_pos}

def reference(input, W_vocab, W_pos):
    # word embeddings: gather from vocab table
    word_embeddings = jnp.take(W_vocab, input, axis=0)  # [B, S, D]
    batch_size, seq_len = input.shape
    positions = jnp.arange(seq_len)
    positional_embeddings = jnp.take(W_pos, positions, axis=0)  # [S, D]
    positional_embeddings = jnp.broadcast_to(positional_embeddings[None, :, :], (batch_size, seq_len, positional_embeddings.shape[-1]))
    output_tensor = word_embeddings + positional_embeddings
    # dropout is identity in eval mode
    return output_tensor

if __name__ == "__main__":
    import jax
    _d = setup_inputs()
    print(jax.jit(kernel)(*tuple(_d.values())))

</pallas_src>

<mosaic_0001>
#map = affine_map<(d0, d1) -> (0, 0)>
#map1 = affine_map<(d0, d1) -> (0, 0, 0)>
module attributes {stable_mosaic.version = 14 : i64} {
  func.func @_body(%arg0: i32, %arg1: i32, %arg2: memref<100000x128xf32, #tpu.memory_space<hbm>>, %arg3: memref<32x50x128xi32, #tpu.memory_space<hbm>>, %arg4: memref<200x128xf32, #tpu.memory_space<hbm>>, %arg5: memref<204800x128xf32, #tpu.memory_space<hbm>>, %arg6: memref<200x128xf32, #tpu.memory_space<vmem>>, %arg7: memref<50x128xi32, #tpu.memory_space<vmem>>, %arg8: memref<128x128xf32, #tpu.memory_space<vmem>>, %arg9: memref<128x128xf32, #tpu.memory_space<vmem>>, %arg10: memref<128x128xf32, #tpu.memory_space<vmem>>, %arg11: memref<128x128xf32, #tpu.memory_space<vmem>>, %arg12: memref<128x128xf32, #tpu.memory_space<vmem>>, %arg13: memref<!tpu.dma_semaphore, #tpu.memory_space<semaphore_mem>>, %arg14: memref<!tpu.dma_semaphore, #tpu.memory_space<semaphore_mem>>, %arg15: memref<!tpu.dma_semaphore, #tpu.memory_space<semaphore_mem>>, %arg16: memref<!tpu.dma_semaphore, #tpu.memory_space<semaphore_mem>>, %arg17: memref<!tpu.dma_semaphore, #tpu.memory_space<semaphore_mem>>, %arg18: memref<!tpu.dma_semaphore, #tpu.memory_space<semaphore_mem>>, %arg19: memref<!tpu.dma_semaphore, #tpu.memory_space<semaphore_mem>>, %arg20: memref<!tpu.dma_semaphore, #tpu.memory_space<semaphore_mem>>, %arg21: memref<!tpu.dma_semaphore, #tpu.memory_space<semaphore_mem>>, %arg22: memref<!tpu.dma_semaphore, #tpu.memory_space<semaphore_mem>>) attributes {dimension_semantics = [#tpu.dimension_semantics<core_parallel>, #tpu.dimension_semantics<subcore_parallel>], iteration_bounds = array<i64: 2, 16>, scalar_prefetch = 0 : i64, scratch_operands = 17 : i64, tpu.core_type = #tpu.core_type<sc_vector_subcore>, window_params = [{transform_indices = #map}, {transform_indices = #map1}, {transform_indices = #map}, {transform_indices = #map}]} {
    %mul3A = arith.constant 2 : i32
    %mul3A_0 = arith.muli %arg1, %mul3A : i32
    %add3A = arith.addi %mul3A_0, %arg0 : i32
    %mul3A_1 = arith.constant 6400 : i32
    %mul3A_2 = arith.muli %add3A, %mul3A_1 : i32
    "tpu.region"() ({
      %run_scoped3A = tpu.sem_alloc : memref<!tpu.dma_semaphore, #tpu.memory_space<semaphore_mem>>
      %dma_start3A_57 = arith.constant 0 : i32
      %dma_start3A_58 = arith.constant 0 : i32
      %dma_start3A_59 = tpu.memref_slice %arg3[%add3A, %dma_start3A_57, %dma_start3A_58] : memref<32x50x128xi32, #tpu.memory_space<hbm>> -> memref<1x50x128xi32, #tpu.memory_space<hbm>>
      %dma_start3A_60 = tpu.memref_squeeze %dma_start3A_59 : memref<1x50x128xi32, #tpu.memory_space<hbm>> -> memref<50x128xi32, #tpu.memory_space<hbm>>
      %dma_start3A_61 = arith.constant 0 : i32
      %dma_start3A_62 = arith.constant 0 : i32
      %dma_start3A_63 = tpu.memref_slice %arg3[%add3A, %dma_start3A_61, %dma_start3A_62] : memref<32x50x128xi32, #tpu.memory_space<hbm>> -> memref<1x50x128xi32, #tpu.memory_space<hbm>>
      %dma_start3A_64 = tpu.memref_squeeze %dma_start3A_63 : memref<1x50x128xi32, #tpu.memory_space<hbm>> -> memref<50x128xi32, #tpu.memory_space<hbm>>
      tpu.enqueue_dma source(%dma_start3A_64 : memref<50x128xi32, #tpu.memory_space<hbm>>) target(%arg7 : memref<50x128xi32, #tpu.memory_space<vmem>>) target_semaphore(%run_scoped3A : memref<!tpu.dma_semaphore, #tpu.memory_space<semaphore_mem>>)
      %dma_wait3A_65 = arith.constant 0 : i32
      %dma_wait3A_66 = arith.constant 0 : i32
      %dma_wait3A_67 = tpu.memref_slice %arg3[%add3A, %dma_wait3A_65, %dma_wait3A_66] : memref<32x50x128xi32, #tpu.memory_space<hbm>> -> memref<1x50x128xi32, #tpu.memory_space<hbm>>
      %dma_wait3A_68 = tpu.memref_squeeze %dma_wait3A_67 : memref<1x50x128xi32, #tpu.memory_space<hbm>> -> memref<50x128xi32, #tpu.memory_space<hbm>>
      %dma_wait3A_69 = arith.constant 0 : i32
      %dma_wait3A_70 = arith.constant 0 : i32
      %dma_wait3A_71 = tpu.memref_slice %arg3[%add3A, %dma_wait3A_69, %dma_wait3A_70] : memref<32x50x128xi32, #tpu.memory_space<hbm>> -> memref<1x50x128xi32, #tpu.memory_space<hbm>>
      %dma_wait3A_72 = tpu.memref_squeeze %dma_wait3A_71 : memref<1x50x128xi32, #tpu.memory_space<hbm>> -> memref<50x128xi32, #tpu.memory_space<hbm>>
      tpu.wait_dma2 semaphore(%run_scoped3A : memref<!tpu.dma_semaphore, #tpu.memory_space<semaphore_mem>>) src(%dma_wait3A_72 : memref<50x128xi32, #tpu.memory_space<hbm>>) dst(%arg7 : memref<50x128xi32, #tpu.memory_space<vmem>>)
      tpu.yield
    }) : () -> ()
    %dma_start3A = arith.constant 0 : i32
    %dma_start3A_3 = arith.constant 0 : i32
    %dma_start3A_4 = tpu.memref_slice %arg7[%dma_start3A, %dma_start3A_3] : memref<50x128xi32, #tpu.memory_space<vmem>> -> memref<1x128xi32, #tpu.memory_space<vmem>>
    %dma_start3A_5 = tpu.memref_squeeze %dma_start3A_4 : memref<1x128xi32, #tpu.memory_space<vmem>> -> memref<128xi32, #tpu.memory_space<vmem>>
    %dma_start3A_6 = arith.constant 0 : i32
    %dma_start3A_7 = arith.constant 0 : i32
    %dma_start3A_8 = tpu.memref_slice %arg2[%dma_start3A_6, %dma_start3A_7] : memref<100000x128xf32, #tpu.memory_space<hbm>> -> memref<100000x128xf32, #tpu.memory_space<hbm>>
    tpu.enqueue_indirect_dma source(%dma_start3A_8 : memref<100000x128xf32, #tpu.memory_space<hbm>>) target(%arg8 : memref<128x128xf32, #tpu.memory_space<vmem>>) offsets(%dma_start3A_5 : memref<128xi32, #tpu.memory_space<vmem>>) semaphore(%arg13 : memref<!tpu.dma_semaphore, #tpu.memory_space<semaphore_mem>>)
    %dma_start3A_9 = arith.constant 1 : i32
    %dma_start3A_10 = arith.constant 0 : i32
    %dma_start3A_11 = tpu.memref_slice %arg7[%dma_start3A_9, %dma_start3A_10] : memref<50x128xi32, #tpu.memory_space<vmem>> -> memref<1x128xi32, #tpu.memory_space<vmem>>
    %dma_start3A_12 = tpu.memref_squeeze %dma_start3A_11 : memref<1x128xi32, #tpu.memory_space<vmem>> -> memref<128xi32, #tpu.memory_space<vmem>>
    %dma_start3A_13 = arith.constant 0 : i32
    %dma_start3A_14 = arith.constant 0 : i32
    %dma_start3A_15 = tpu.memref_slice %arg2[%dma_start3A_13, %dma_start3A_14] : memref<100000x128xf32, #tpu.memory_space<hbm>> -> memref<100000x128xf32, #tpu.memory_space<hbm>>
    tpu.enqueue_indirect_dma source(%dma_start3A_15 : memref<100000x128xf32, #tpu.memory_space<hbm>>) target(%arg9 : memref<128x128xf32, #tpu.memory_space<vmem>>) offsets(%dma_start3A_12 : memref<128xi32, #tpu.memory_space<vmem>>) semaphore(%arg14 : memref<!tpu.dma_semaphore, #tpu.memory_space<semaphore_mem>>)
    %dma_start3A_16 = arith.constant 2 : i32
    %dma_start3A_17 = arith.constant 0 : i32
    %dma_start3A_18 = tpu.memref_slice %arg7[%dma_start3A_16, %dma_start3A_17] : memref<50x128xi32, #tpu.memory_space<vmem>> -> memref<1x128xi32, #tpu.memory_space<vmem>>
    %dma_start3A_19 = tpu.memref_squeeze %dma_start3A_18 : memref<1x128xi32, #tpu.memory_space<vmem>> -> memref<128xi32, #tpu.memory_space<vmem>>
    %dma_start3A_20 = arith.constant 0 : i32
    %dma_start3A_21 = arith.constant 0 : i32
    %dma_start3A_22 = tpu.memref_slice %arg2[%dma_start3A_20, %dma_start3A_21] : memref<100000x128xf32, #tpu.memory_space<hbm>> -> memref<100000x128xf32, #tpu.memory_space<hbm>>
    tpu.enqueue_indirect_dma source(%dma_start3A_22 : memref<100000x128xf32, #tpu.memory_space<hbm>>) target(%arg10 : memref<128x128xf32, #tpu.memory_space<vmem>>) offsets(%dma_start3A_19 : memref<128xi32, #tpu.memory_space<vmem>>) semaphore(%arg15 : memref<!tpu.dma_semaphore, #tpu.memory_space<semaphore_mem>>)
    "tpu.region"() ({
      %run_scoped3A = tpu.sem_alloc : memref<!tpu.dma_semaphore, #tpu.memory_space<semaphore_mem>>
      tpu.enqueue_dma source(%arg4 : memref<200x128xf32, #tpu.memory_space<hbm>>) target(%arg6 : memref<200x128xf32, #tpu.memory_space<vmem>>) target_semaphore(%run_scoped3A : memref<!tpu.dma_semaphore, #tpu.memory_space<semaphore_mem>>)
      tpu.wait_dma2 semaphore(%run_scoped3A : memref<!tpu.dma_semaphore, #tpu.memory_space<semaphore_mem>>) src(%arg4 : memref<200x128xf32, #tpu.memory_space<hbm>>) dst(%arg6 : memref<200x128xf32, #tpu.memory_space<vmem>>)
      tpu.yield
    }) : () -> ()
    %scan3A = arith.constant 0 : i32
    %scan3A_23 = arith.constant 0 : i32
    %scan3A_24 = arith.constant 10 : i32
    %scan3A_25 = arith.addi %scan3A_23, %scan3A_24 : i32
    %scan3A_26 = arith.constant 1 : i32
    scf.for %scan3A_57 = %scan3A_23 to %scan3A_25 step %scan3A_26  : i32 {
      %mul3A_58 = arith.constant 5 : i32
      %mul3A_59 = arith.muli %scan3A_57, %mul3A_58 : i32
      %add3A_60 = arith.constant 0 : i32
      %add3A_61 = arith.addi %mul3A_59, %add3A_60 : i32
      %dma_wait3A_62 = arith.constant 0 : i32
      %dma_wait3A_63 = tpu.memref_slice %arg7[%add3A_61, %dma_wait3A_62] : memref<50x128xi32, #tpu.memory_space<vmem>> -> memref<1x128xi32, #tpu.memory_space<vmem>>
      %dma_wait3A_64 = tpu.memref_squeeze %dma_wait3A_63 : memref<1x128xi32, #tpu.memory_space<vmem>> -> memref<128xi32, #tpu.memory_space<vmem>>
      %dma_wait3A_65 = arith.constant 0 : i32
      %dma_wait3A_66 = arith.constant 0 : i32
      %dma_wait3A_67 = tpu.memref_slice %arg2[%dma_wait3A_65, %dma_wait3A_66] : memref<100000x128xf32, #tpu.memory_space<hbm>> -> memref<100000x128xf32, #tpu.memory_space<hbm>>
      tpu.wait_indirect_dma semaphore(%arg13 : memref<!tpu.dma_semaphore, #tpu.memory_space<semaphore_mem>>) src(%dma_wait3A_67 : memref<100000x128xf32, #tpu.memory_space<hbm>>) dst(%arg8 : memref<128x128xf32, #tpu.memory_space<vmem>>)
      %add3A_68 = arith.constant 3 : i32
      %add3A_69 = arith.addi %add3A_61, %add3A_68 : i32
      %ge3A = arith.constant 2 : i32
      %ge3A_70 = arith.cmpi sge, %add3A_61, %ge3A : i32
      %lt3A = arith.constant 50 : i32
      %lt3A_71 = arith.cmpi slt, %add3A_69, %lt3A : i32
      %and3A = arith.andi %ge3A_70, %lt3A_71 : i1
      %convert_element_type3A = arith.extui %and3A : i1 to i32
      %cond3A = arith.constant 0 : i32
      %cond3A_72 = arith.cmpi ne, %convert_element_type3A, %cond3A : i32
      scf.if %cond3A_72 {
        %sub3A = arith.constant 2 : i32
        %sub3A_261 = arith.subi %add3A_61, %sub3A : i32
        %mul3A_262 = arith.constant 128 : i32
        %mul3A_263 = arith.muli %sub3A_261, %mul3A_262 : i32
        %add3A_264 = arith.addi %mul3A_2, %mul3A_263 : i32
        %dma_wait3A_265 = arith.constant 0 : i32
        %dma_wait3A_266 = tpu.memref_slice %arg5[%add3A_264, %dma_wait3A_265] : memref<204800x128xf32, #tpu.memory_space<hbm>> -> memref<128x128xf32, #tpu.memory_space<hbm>>
        %dma_wait3A_267 = arith.constant 0 : i32
        %dma_wait3A_268 = tpu.memref_slice %arg5[%add3A_264, %dma_wait3A_267] : memref<204800x128xf32, #tpu.memory_space<hbm>> -> memref<128x128xf32, #tpu.memory_space<hbm>>
        tpu.wait_dma2 semaphore(%arg21 : memref<!tpu.dma_semaphore, #tpu.memory_space<semaphore_mem>>) src(%arg11 : memref<128x128xf32, #tpu.memory_space<vmem>>) dst(%dma_wait3A_268 : memref<128x128xf32, #tpu.memory_space<hbm>>)
        %dma_start3A_269 = arith.constant 0 : i32
        %dma_start3A_270 = tpu.memref_slice %arg7[%add3A_69, %dma_start3A_269] : memref<50x128xi32, #tpu.memory_space<vmem>> -> memref<1x128xi32, #tpu.memory_space<vmem>>
        %dma_start3A_271 = tpu.memref_squeeze %dma_start3A_270 : memref<1x128xi32, #tpu.memory_space<vmem>> -> memref<128xi32, #tpu.memory_space<vmem>>
        %dma_start3A_272 = arith.constant 0 : i32
        %dma_start3A_273 = arith.constant 0 : i32
        %dma_start3A_274 = tpu.memref_slice %arg2[%dma_start3A_272, %dma_start3A_273] : memref<100000x128xf32, #tpu.memory_space<hbm>> -> memref<100000x128xf32, #tpu.memory_space<hbm>>
        tpu.enqueue_indirect_dma source(%dma_start3A_274 : memref<100000x128xf32, #tpu.memory_space<hbm>>) target(%arg11 : memref<128x128xf32, #tpu.memory_space<vmem>>) offsets(%dma_start3A_271 : memref<128xi32, #tpu.memory_space<vmem>>) semaphore(%arg16 : memref<!tpu.dma_semaphore, #tpu.memory_space<semaphore_mem>>)
      } else {
      }
      %lt3A_73 = arith.constant 2 : i32
      %lt3A_74 = arith.cmpi slt, %add3A_61, %lt3A_73 : i32
      %lt3A_75 = arith.constant 50 : i32
      %lt3A_76 = arith.cmpi slt, %add3A_69, %lt3A_75 : i32
      %and3A_77 = arith.andi %lt3A_74, %lt3A_76 : i1
      %convert_element_type3A_78 = arith.extui %and3A_77 : i1 to i32
      %cond3A_79 = arith.constant 0 : i32
      %cond3A_80 = arith.cmpi ne, %convert_element_type3A_78, %cond3A_79 : i32
      scf.if %cond3A_80 {
        %dma_start3A_261 = arith.constant 0 : i32
        %dma_start3A_262 = tpu.memref_slice %arg7[%add3A_69, %dma_start3A_261] : memref<50x128xi32, #tpu.memory_space<vmem>> -> memref<1x128xi32, #tpu.memory_space<vmem>>
        %dma_start3A_263 = tpu.memref_squeeze %dma_start3A_262 : memref<1x128xi32, #tpu.memory_space<vmem>> -> memref<128xi32, #tpu.memory_space<vmem>>
        %dma_start3A_264 = arith.constant 0 : i32
        %dma_start3A_265 = arith.constant 0 : i32
        %dma_start3A_266 = tpu.memref_slice %arg2[%dma_start3A_264, %dma_start3A_265] : memref<100000x128xf32, #tpu.memory_space<hbm>> -> memref<100000x128xf32, #tpu.memory_space<hbm>>
        tpu.enqueue_indirect_dma source(%dma_start3A_266 : memref<100000x128xf32, #tpu.memory_space<hbm>>) target(%arg11 : memref<128x128xf32, #tpu.memory_space<vmem>>) offsets(%dma_start3A_263 : memref<128xi32, #tpu.memory_space<vmem>>) semaphore(%arg16 : memref<!tpu.dma_semaphore, #tpu.memory_space<semaphore_mem>>)
      } else {
      }
      %mul3A_81 = arith.constant 128 : i32
      %mul3A_82 = arith.muli %add3A_61, %mul3A_81 : i32
      %rem3A = arith.constant 200 : i32
      %rem3A_83 = arith.remsi %mul3A_82, %rem3A : i32
      %parallel_loop3A = arith.constant 0 : i32
      %parallel_loop3A_84 = arith.constant 128 : i32
      %parallel_loop3A_85 = arith.constant 1 : i32
      scf.for %parallel_loop3A_261 = %parallel_loop3A to %parallel_loop3A_84 step %parallel_loop3A_85  : i32 {
        %parallel_loop3A_262 = arith.addi %rem3A_83, %parallel_loop3A_261 : i32
        %parallel_loop3A_263 = arith.constant 200 : i32
        %parallel_loop3A_264 = arith.cmpi sge, %parallel_loop3A_262, %parallel_loop3A_263 : i32
        %parallel_loop3A_265 = arith.constant 200 : i32
        %parallel_loop3A_266 = arith.subi %parallel_loop3A_262, %parallel_loop3A_265 : i32
        %parallel_loop3A_267 = arith.select %parallel_loop3A_264, %parallel_loop3A_266, %parallel_loop3A_262 : i32
        %parallel_loop3A_268 = arith.index_cast %parallel_loop3A_267 : i32 to index
        %parallel_loop3A_269 = arith.constant 0 : index
        %parallel_loop3A_270 = tpu.vector_load %arg6[%parallel_loop3A_268, %parallel_loop3A_269] {strides = array<i32>} : memref<200x128xf32, #tpu.memory_space<vmem>>, vector<1x16xf32>,
        %parallel_loop3A_271 = vector.shape_cast %parallel_loop3A_270 : vector<1x16xf32> to vector<16xf32>
        %parallel_loop3A_272 = arith.index_cast %parallel_loop3A_261 : i32 to index
        %parallel_loop3A_273 = arith.constant 0 : index
        %parallel_loop3A_274 = tpu.vector_load %arg8[%parallel_loop3A_272, %parallel_loop3A_273] {strides = array<i32>} : memref<128x128xf32, #tpu.memory_space<vmem>>, vector<1x16xf32>,
        %parallel_loop3A_275 = vector.shape_cast %parallel_loop3A_274 : vector<1x16xf32> to vector<16xf32>
        %parallel_loop3A_276 = vector.shape_cast %parallel_loop3A_271 : vector<16xf32> to vector<1x16xf32>
        tpu.vector_store %arg8[%parallel_loop3A_272, %parallel_loop3A_273], %parallel_loop3A_276 {add = true, strides = array<i32>} : memref<128x128xf32, #tpu.memory_space<vmem>>, vector<1x16xf32>,
        %parallel_loop3A_277 = arith.index_cast %parallel_loop3A_267 : i32 to index
        %parallel_loop3A_278 = arith.constant 16 : index
        %parallel_loop3A_279 = tpu.vector_load %arg6[%parallel_loop3A_277, %parallel_loop3A_278] {strides = array<i32>} : memref<200x128xf32, #tpu.memory_space<vmem>>, vector<1x16xf32>,
        %parallel_loop3A_280 = vector.shape_cast %parallel_loop3A_279 : vector<1x16xf32> to vector<16xf32>
        %parallel_loop3A_281 = arith.index_cast %parallel_loop3A_261 : i32 to index
        %parallel_loop3A_282 = arith.constant 16 : index
        %parallel_loop3A_283 = tpu.vector_load %arg8[%parallel_loop3A_281, %parallel_loop3A_282] {strides = array<i32>} : memref<128x128xf32, #tpu.memory_space<vmem>>, vector<1x16xf32>,
        %parallel_loop3A_284 = vector.shape_cast %parallel_loop3A_283 : vector<1x16xf32> to vector<16xf32>
        %parallel_loop3A_285 = vector.shape_cast %parallel_loop3A_280 : vector<16xf32> to vector<1x16xf32>
        tpu.vector_store %arg8[%parallel_loop3A_281, %parallel_loop3A_282], %parallel_loop3A_285 {add = true, strides = array<i32>} : memref<128x128xf32, #tpu.memory_space<vmem>>, vector<1x16xf32>,
        %parallel_loop3A_286 = arith.index_cast %parallel_loop3A_267 : i32 to index
        %parallel_loop3A_287 = arith.constant 32 : index
        %parallel_loop3A_288 = tpu.vector_load %arg6[%parallel_loop3A_286, %parallel_loop3A_287] {strides = array<i32>} : memref<200x128xf32, #tpu.memory_space<vmem>>, vector<1x16xf32>,
        %parallel_loop3A_289 = vector.shape_cast %parallel_loop3A_288 : vector<1x16xf32> to vector<16xf32>
        %parallel_loop3A_290 = arith.index_cast %parallel_loop3A_261 : i32 to index
        %parallel_loop3A_291 = arith.constant 32 : index
        %parallel_loop3A_292 = tpu.vector_load %arg8[%parallel_loop3A_290, %parallel_loop3A_291] {strides = array<i32>} : memref<128x128xf32, #tpu.memory_space<vmem>>, vector<1x16xf32>,
        %parallel_loop3A_293 = vector.shape_cast %parallel_loop3A_292 : vector<1x16xf32> to vector<16xf32>
        %parallel_loop3A_294 = vector.shape_cast %parallel_loop3A_289 : vector<16xf32> to vector<1x16xf32>
        tpu.vector_store %arg8[%parallel_loop3A_290, %parallel_loop3A_291], %parallel_loop3A_294 {add = true, strides = array<i32>} : memref<128x128xf32, #tpu.memory_space<vmem>>, vector<1x16xf32>,
        %parallel_loop3A_295 = arith.index_cast %parallel_loop3A_267 : i32 to index
        %parallel_loop3A_296 = arith.constant 48 : index
        %parallel_loop3A_297 = tpu.vector_load %arg6[%parallel_loop3A_295, %parallel_loop3A_296] {strides = array<i32>} : memref<200x128xf32, #tpu.memory_space<vmem>>, vector<1x16xf32>,
        %parallel_loop3A_298 = vector.shape_cast %parallel_loop3A_297 : vector<1x16xf32> to vector<16xf32>
        %parallel_loop3A_299 = arith.index_cast %parallel_loop3A_261 : i32 to index
        %parallel_loop3A_300 = arith.constant 48 : index
        %parallel_loop3A_301 = tpu.vector_load %arg8[%parallel_loop3A_299, %parallel_loop3A_300] {strides = array<i32>} : memref<128x128xf32, #tpu.memory_space<vmem>>, vector<1x16xf32>,
        %parallel_loop3A_302 = vector.shape_cast %parallel_loop3A_301 : vector<1x16xf32> to vector<16xf32>
        %parallel_loop3A_303 = vector.shape_cast %parallel_loop3A_298 : vector<16xf32> to vector<1x16xf32>
        tpu.vector_store %arg8[%parallel_loop3A_299, %parallel_loop3A_300], %parallel_loop3A_303 {add = true, strides = array<i32>} : memref<128x128xf32, #tpu.memory_space<vmem>>, vector<1x16xf32>,
        %parallel_loop3A_304 = arith.index_cast %parallel_loop3A_267 : i32 to index
        %parallel_loop3A_305 = arith.constant 64 : index
        %parallel_loop3A_306 = tpu.vector_load %arg6[%parallel_loop3A_304, %parallel_loop3A_305] {strides = array<i32>} : memref<200x128xf32, #tpu.memory_space<vmem>>, vector<1x16xf32>,
        %parallel_loop3A_307 = vector.shape_cast %parallel_loop3A_306 : vector<1x16xf32> to vector<16xf32>
        %parallel_loop3A_308 = arith.index_cast %parallel_loop3A_261 : i32 to index
        %parallel_loop3A_309 = arith.constant 64 : index
        %parallel_loop3A_310 = tpu.vector_load %arg8[%parallel_loop3A_308, %parallel_loop3A_309] {strides = array<i32>} : memref<128x128xf32, #tpu.memory_space<vmem>>, vector<1x16xf32>,
        %parallel_loop3A_311 = vector.shape_cast %parallel_loop3A_310 : vector<1x16xf32> to vector<16xf32>
        %parallel_loop3A_312 = vector.shape_cast %parallel_loop3A_307 : vector<16xf32> to vector<1x16xf32>
        tpu.vector_store %arg8[%parallel_loop3A_308, %parallel_loop3A_309], %parallel_loop3A_312 {add = true, strides = array<i32>} : memref<128x128xf32, #tpu.memory_space<vmem>>, vector<1x16xf32>,
        %parallel_loop3A_313 = arith.index_cast %parallel_loop3A_267 : i32 to index
        %parallel_loop3A_314 = arith.constant 80 : index
        %parallel_loop3A_315 = tpu.vector_load %arg6[%parallel_loop3A_313, %parallel_loop3A_314] {strides = array<i32>} : memref<200x128xf32, #tpu.memory_space<vmem>>, vector<1x16xf32>,
        %parallel_loop3A_316 = vector.shape_cast %parallel_loop3A_315 : vector<1x16xf32> to vector<16xf32>
        %parallel_loop3A_317 = arith.index_cast %parallel_loop3A_261 : i32 to index
        %parallel_loop3A_318 = arith.constant 80 : index
        %parallel_loop3A_319 = tpu.vector_load %arg8[%parallel_loop3A_317, %parallel_loop3A_318] {strides = array<i32>} : memref<128x128xf32, #tpu.memory_space<vmem>>, vector<1x16xf32>,
        %parallel_loop3A_320 = vector.shape_cast %parallel_loop3A_319 : vector<1x16xf32> to vector<16xf32>
        %parallel_loop3A_321 = vector.shape_cast %parallel_loop3A_316 : vector<16xf32> to vector<1x16xf32>
        tpu.vector_store %arg8[%parallel_loop3A_317, %parallel_loop3A_318], %parallel_loop3A_321 {add = true, strides = array<i32>} : memref<128x128xf32, #tpu.memory_space<vmem>>, vector<1x16xf32>,
        %parallel_loop3A_322 = arith.index_cast %parallel_loop3A_267 : i32 to index
        %parallel_loop3A_323 = arith.constant 96 : index
        %parallel_loop3A_324 = tpu.vector_load %arg6[%parallel_loop3A_322, %parallel_loop3A_323] {strides = array<i32>} : memref<200x128xf32, #tpu.memory_space<vmem>>, vector<1x16xf32>,
        %parallel_loop3A_325 = vector.shape_cast %parallel_loop3A_324 : vector<1x16xf32> to vector<16xf32>
        %parallel_loop3A_326 = arith.index_cast %parallel_loop3A_261 : i32 to index
        %parallel_loop3A_327 = arith.constant 96 : index
        %parallel_loop3A_328 = tpu.vector_load %arg8[%parallel_loop3A_326, %parallel_loop3A_327] {strides = array<i32>} : memref<128x128xf32, #tpu.memory_space<vmem>>, vector<1x16xf32>,
        %parallel_loop3A_329 = vector.shape_cast %parallel_loop3A_328 : vector<1x16xf32> to vector<16xf32>
        %parallel_loop3A_330 = vector.shape_cast %parallel_loop3A_325 : vector<16xf32> to vector<1x16xf32>
        tpu.vector_store %arg8[%parallel_loop3A_326, %parallel_loop3A_327], %parallel_loop3A_330 {add = true, strides = array<i32>} : memref<128x128xf32, #tpu.memory_space<vmem>>, vector<1x16xf32>,
        %parallel_loop3A_331 = arith.index_cast %parallel_loop3A_267 : i32 to index
        %parallel_loop3A_332 = arith.constant 112 : index
        %parallel_loop3A_333 = tpu.vector_load %arg6[%parallel_loop3A_331, %parallel_loop3A_332] {strides = array<i32>} : memref<200x128xf32, #tpu.memory_space<vmem>>, vector<1x16xf32>,
        %parallel_loop3A_334 = vector.shape_cast %parallel_loop3A_333 : vector<1x16xf32> to vector<16xf32>
        %parallel_loop3A_335 = arith.index_cast %parallel_loop3A_261 : i32 to index
        %parallel_loop3A_336 = arith.constant 112 : index
        %parallel_loop3A_337 = tpu.vector_load %arg8[%parallel_loop3A_335, %parallel_loop3A_336] {strides = array<i32>} : memref<128x128xf32, #tpu.memory_space<vmem>>, vector<1x16xf32>,
        %parallel_loop3A_338 = vector.shape_cast %parallel_loop3A_337 : vector<1x16xf32> to vector<16xf32>
        %parallel_loop3A_339 = vector.shape_cast %parallel_loop3A_334 : vector<16xf32> to vector<1x16xf32>
        tpu.vector_store %arg8[%parallel_loop3A_335, %parallel_loop3A_336], %parallel_loop3A_339 {add = true, strides = array<i32>} : memref<128x128xf32, #tpu.memory_space<vmem>>, vector<1x16xf32>,
      } {sc.loop_unroll_factor = 4 : i64, sc.parallel_access}
      %mul3A_86 = arith.constant 128 : i32
      %mul3A_87 = arith.muli %add3A_61, %mul3A_86 : i32
      %add3A_88 = arith.addi %mul3A_2, %mul3A_87 : i32
      %dma_start3A_89 = arith.constant 0 : i32
      %dma_start3A_90 = tpu.memref_slice %arg5[%add3A_88, %dma_start3A_89] : memref<204800x128xf32, #tpu.memory_space<hbm>> -> memref<128x128xf32, #tpu.memory_space<hbm>>
      %dma_start3A_91 = arith.constant 0 : i32
      %dma_start3A_92 = tpu.memref_slice %arg5[%add3A_88, %dma_start3A_91] : memref<204800x128xf32, #tpu.memory_space<hbm>> -> memref<128x128xf32, #tpu.memory_space<hbm>>
      tpu.enqueue_dma source(%arg8 : memref<128x128xf32, #tpu.memory_space<vmem>>) target(%dma_start3A_92 : memref<128x128xf32, #tpu.memory_space<hbm>>) target_semaphore(%arg18 : memref<!tpu.dma_semaphore, #tpu.memory_space<semaphore_mem>>)
      %mul3A_93 = arith.constant 5 : i32
      %mul3A_94 = arith.muli %scan3A_57, %mul3A_93 : i32
      %add3A_95 = arith.constant 1 : i32
      %add3A_96 = arith.addi %mul3A_94, %add3A_95 : i32
      %dma_wait3A_97 = arith.constant 0 : i32
      %dma_wait3A_98 = tpu.memref_slice %arg7[%add3A_96, %dma_wait3A_97] : memref<50x128xi32, #tpu.memory_space<vmem>> -> memref<1x128xi32, #tpu.memory_space<vmem>>
      %dma_wait3A_99 = tpu.memref_squeeze %dma_wait3A_98 : memref<1x128xi32, #tpu.memory_space<vmem>> -> memref<128xi32, #tpu.memory_space<vmem>>
      %dma_wait3A_100 = arith.constant 0 : i32
      %dma_wait3A_101 = arith.constant 0 : i32
      %dma_wait3A_102 = tpu.memref_slice %arg2[%dma_wait3A_100, %dma_wait3A_101] : memref<100000x128xf32, #tpu.memory_space<hbm>> -> memref<100000x128xf32, #tpu.memory_space<hbm>>
      tpu.wait_indirect_dma semaphore(%arg14 : memref<!tpu.dma_semaphore, #tpu.memory_space<semaphore_mem>>) src(%dma_wait3A_102 : memref<100000x128xf32, #tpu.memory_space<hbm>>) dst(%arg9 : memref<128x128xf32, #tpu.memory_space<vmem>>)
      %add3A_103 = arith.constant 3 : i32
      %add3A_104 = arith.addi %add3A_96, %add3A_103 : i32
      %ge3A_105 = arith.constant 2 : i32
      %ge3A_106 = arith.cmpi sge, %add3A_96, %ge3A_105 : i32
      %lt3A_107 = arith.constant 50 : i32
      %lt3A_108 = arith.cmpi slt, %add3A_104, %lt3A_107 : i32
      %and3A_109 = arith.andi %ge3A_106, %lt3A_108 : i1
      %convert_element_type3A_110 = arith.extui %and3A_109 : i1 to i32
      %cond3A_111 = arith.constant 0 : i32
      %cond3A_112 = arith.cmpi ne, %convert_element_type3A_110, %cond3A_111 : i32
      scf.if %cond3A_112 {
        %sub3A = arith.constant 2 : i32
        %sub3A_261 = arith.subi %add3A_96, %sub3A : i32
        %mul3A_262 = arith.constant 128 : i32
        %mul3A_263 = arith.muli %sub3A_261, %mul3A_262 : i32
        %add3A_264 = arith.addi %mul3A_2, %mul3A_263 : i32
        %dma_wait3A_265 = arith.constant 0 : i32
        %dma_wait3A_266 = tpu.memref_slice %arg5[%add3A_264, %dma_wait3A_265] : memref<204800x128xf32, #tpu.memory_space<hbm>> -> memref<128x128xf32, #tpu.memory_space<hbm>>
        %dma_wait3A_267 = arith.constant 0 : i32
        %dma_wait3A_268 = tpu.memref_slice %arg5[%add3A_264, %dma_wait3A_267] : memref<204800x128xf32, #tpu.memory_space<hbm>> -> memref<128x128xf32, #tpu.memory_space<hbm>>
        tpu.wait_dma2 semaphore(%arg22 : memref<!tpu.dma_semaphore, #tpu.memory_space<semaphore_mem>>) src(%arg12 : memref<128x128xf32, #tpu.memory_space<vmem>>) dst(%dma_wait3A_268 : memref<128x128xf32, #tpu.memory_space<hbm>>)
        %dma_start3A_269 = arith.constant 0 : i32
        %dma_start3A_270 = tpu.memref_slice %arg7[%add3A_104, %dma_start3A_269] : memref<50x128xi32, #tpu.memory_space<vmem>> -> memref<1x128xi32, #tpu.memory_space<vmem>>
        %dma_start3A_271 = tpu.memref_squeeze %dma_start3A_270 : memref<1x128xi32, #tpu.memory_space<vmem>> -> memref<128xi32, #tpu.memory_space<vmem>>
        %dma_start3A_272 = arith.constant 0 : i32
        %dma_start3A_273 = arith.constant 0 : i32
        %dma_start3A_274 = tpu.memref_slice %arg2[%dma_start3A_272, %dma_start3A_273] : memref<100000x128xf32, #tpu.memory_space<hbm>> -> memref<100000x128xf32, #tpu.memory_space<hbm>>
        tpu.enqueue_indirect_dma source(%dma_start3A_274 : memref<100000x128xf32, #tpu.memory_space<hbm>>) target(%arg12 : memref<128x128xf32, #tpu.memory_space<vmem>>) offsets(%dma_start3A_271 : memref<128xi32, #tpu.memory_space<vmem>>) semaphore(%arg17 : memref<!tpu.dma_semaphore, #tpu.memory_space<semaphore_mem>>)
      } else {
      }
      %lt3A_113 = arith.constant 2 : i32
      %lt3A_114 = arith.cmpi slt, %add3A_96, %lt3A_113 : i32
      %lt3A_115 = arith.constant 50 : i32
      %lt3A_116 = arith.cmpi slt, %add3A_104, %lt3A_115 : i32
      %and3A_117 = arith.andi %lt3A_114, %lt3A_116 : i1
      %convert_element_type3A_118 = arith.extui %and3A_117 : i1 to i32
      %cond3A_119 = arith.constant 0 : i32
      %cond3A_120 = arith.cmpi ne, %convert_element_type3A_118, %cond3A_119 : i32
      scf.if %cond3A_120 {
        %dma_start3A_261 = arith.constant 0 : i32
        %dma_start3A_262 = tpu.memref_slice %arg7[%add3A_104, %dma_start3A_261] : memref<50x128xi32, #tpu.memory_space<vmem>> -> memref<1x128xi32, #tpu.memory_space<vmem>>
        %dma_start3A_263 = tpu.memref_squeeze %dma_start3A_262 : memref<1x128xi32, #tpu.memory_space<vmem>> -> memref<128xi32, #tpu.memory_space<vmem>>
        %dma_start3A_264 = arith.constant 0 : i32
        %dma_start3A_265 = arith.constant 0 : i32
        %dma_start3A_266 = tpu.memref_slice %arg2[%dma_start3A_264, %dma_start3A_265] : memref<100000x128xf32, #tpu.memory_space<hbm>> -> memref<100000x128xf32, #tpu.memory_space<hbm>>
        tpu.enqueue_indirect_dma source(%dma_start3A_266 : memref<100000x128xf32, #tpu.memory_space<hbm>>) target(%arg12 : memref<128x128xf32, #tpu.memory_space<vmem>>) offsets(%dma_start3A_263 : memref<128xi32, #tpu.memory_space<vmem>>) semaphore(%arg17 : memref<!tpu.dma_semaphore, #tpu.memory_space<semaphore_mem>>)
      } else {
      }
      %mul3A_121 = arith.constant 128 : i32
      %mul3A_122 = arith.muli %add3A_96, %mul3A_121 : i32
      %rem3A_123 = arith.constant 200 : i32
      %rem3A_124 = arith.remsi %mul3A_122, %rem3A_123 : i32
      %parallel_loop3A_125 = arith.constant 0 : i32
      %parallel_loop3A_126 = arith.constant 128 : i32
      %parallel_loop3A_127 = arith.constant 1 : i32
      scf.for %parallel_loop3A_261 = %parallel_loop3A_125 to %parallel_loop3A_126 step %parallel_loop3A_127  : i32 {
        %parallel_loop3A_262 = arith.addi %rem3A_124, %parallel_loop3A_261 : i32
        %parallel_loop3A_263 = arith.constant 200 : i32
        %parallel_loop3A_264 = arith.cmpi sge, %parallel_loop3A_262, %parallel_loop3A_263 : i32
        %parallel_loop3A_265 = arith.constant 200 : i32
        %parallel_loop3A_266 = arith.subi %parallel_loop3A_262, %parallel_loop3A_265 : i32
        %parallel_loop3A_267 = arith.select %parallel_loop3A_264, %parallel_loop3A_266, %parallel_loop3A_262 : i32
        %parallel_loop3A_268 = arith.index_cast %parallel_loop3A_267 : i32 to index
        %parallel_loop3A_269 = arith.constant 0 : index
        %parallel_loop3A_270 = tpu.vector_load %arg6[%parallel_loop3A_268, %parallel_loop3A_269] {strides = array<i32>} : memref<200x128xf32, #tpu.memory_space<vmem>>, vector<1x16xf32>,
        %parallel_loop3A_271 = vector.shape_cast %parallel_loop3A_270 : vector<1x16xf32> to vector<16xf32>
        %parallel_loop3A_272 = arith.index_cast %parallel_loop3A_261 : i32 to index
        %parallel_loop3A_273 = arith.constant 0 : index
        %parallel_loop3A_274 = tpu.vector_load %arg9[%parallel_loop3A_272, %parallel_loop3A_273] {strides = array<i32>} : memref<128x128xf32, #tpu.memory_space<vmem>>, vector<1x16xf32>,
        %parallel_loop3A_275 = vector.shape_cast %parallel_loop3A_274 : vector<1x16xf32> to vector<16xf32>
        %parallel_loop3A_276 = vector.shape_cast %parallel_loop3A_271 : vector<16xf32> to vector<1x16xf32>
        tpu.vector_store %arg9[%parallel_loop3A_272, %parallel_loop3A_273], %parallel_loop3A_276 {add = true, strides = array<i32>} : memref<128x128xf32, #tpu.memory_space<vmem>>, vector<1x16xf32>,
        %parallel_loop3A_277 = arith.index_cast %parallel_loop3A_267 : i32 to index
        %parallel_loop3A_278 = arith.constant 16 : index
        %parallel_loop3A_279 = tpu.vector_load %arg6[%parallel_loop3A_277, %parallel_loop3A_278] {strides = array<i32>} : memref<200x128xf32, #tpu.memory_space<vmem>>, vector<1x16xf32>,
        %parallel_loop3A_280 = vector.shape_cast %parallel_loop3A_279 : vector<1x16xf32> to vector<16xf32>
        %parallel_loop3A_281 = arith.index_cast %parallel_loop3A_261 : i32 to index
        %parallel_loop3A_282 = arith.constant 16 : index
        %parallel_loop3A_283 = tpu.vector_load %arg9[%parallel_loop3A_281, %parallel_loop3A_282] {strides = array<i32>} : memref<128x128xf32, #tpu.memory_space<vmem>>, vector<1x16xf32>,
        %parallel_loop3A_284 = vector.shape_cast %parallel_loop3A_283 : vector<1x16xf32> to vector<16xf32>
        %parallel_loop3A_285 = vector.shape_cast %parallel_loop3A_280 : vector<16xf32> to vector<1x16xf32>
        tpu.vector_store %arg9[%parallel_loop3A_281, %parallel_loop3A_282], %parallel_loop3A_285 {add = true, strides = array<i32>} : memref<128x128xf32, #tpu.memory_space<vmem>>, vector<1x16xf32>,
        %parallel_loop3A_286 = arith.index_cast %parallel_loop3A_267 : i32 to index
        %parallel_loop3A_287 = arith.constant 32 : index
        %parallel_loop3A_288 = tpu.vector_load %arg6[%parallel_loop3A_286, %parallel_loop3A_287] {strides = array<i32>} : memref<200x128xf32, #tpu.memory_space<vmem>>, vector<1x16xf32>,
        %parallel_loop3A_289 = vector.shape_cast %parallel_loop3A_288 : vector<1x16xf32> to vector<16xf32>
        %parallel_loop3A_290 = arith.index_cast %parallel_loop3A_261 : i32 to index
        %parallel_loop3A_291 = arith.constant 32 : index
        %parallel_loop3A_292 = tpu.vector_load %arg9[%parallel_loop3A_290, %parallel_loop3A_291] {strides = array<i32>} : memref<128x128xf32, #tpu.memory_space<vmem>>, vector<1x16xf32>,
        %parallel_loop3A_293 = vector.shape_cast %parallel_loop3A_292 : vector<1x16xf32> to vector<16xf32>
        %parallel_loop3A_294 = vector.shape_cast %parallel_loop3A_289 : vector<16xf32> to vector<1x16xf32>
        tpu.vector_store %arg9[%parallel_loop3A_290, %parallel_loop3A_291], %parallel_loop3A_294 {add = true, strides = array<i32>} : memref<128x128xf32, #tpu.memory_space<vmem>>, vector<1x16xf32>,
        %parallel_loop3A_295 = arith.index_cast %parallel_loop3A_267 : i32 to index
        %parallel_loop3A_296 = arith.constant 48 : index
        %parallel_loop3A_297 = tpu.vector_load %arg6[%parallel_loop3A_295, %parallel_loop3A_296] {strides = array<i32>} : memref<200x128xf32, #tpu.memory_space<vmem>>, vector<1x16xf32>,
        %parallel_loop3A_298 = vector.shape_cast %parallel_loop3A_297 : vector<1x16xf32> to vector<16xf32>
        %parallel_loop3A_299 = arith.index_cast %parallel_loop3A_261 : i32 to index
        %parallel_loop3A_300 = arith.constant 48 : index
        %parallel_loop3A_301 = tpu.vector_load %arg9[%parallel_loop3A_299, %parallel_loop3A_300] {strides = array<i32>} : memref<128x128xf32, #tpu.memory_space<vmem>>, vector<1x16xf32>,
        %parallel_loop3A_302 = vector.shape_cast %parallel_loop3A_301 : vector<1x16xf32> to vector<16xf32>
        %parallel_loop3A_303 = vector.shape_cast %parallel_loop3A_298 : vector<16xf32> to vector<1x16xf32>
        tpu.vector_store %arg9[%parallel_loop3A_299, %parallel_loop3A_300], %parallel_loop3A_303 {add = true, strides = array<i32>} : memref<128x128xf32, #tpu.memory_space<vmem>>, vector<1x16xf32>,
        %parallel_loop3A_304 = arith.index_cast %parallel_loop3A_267 : i32 to index
        %parallel_loop3A_305 = arith.constant 64 : index
        %parallel_loop3A_306 = tpu.vector_load %arg6[%parallel_loop3A_304, %parallel_loop3A_305] {strides = array<i32>} : memref<200x128xf32, #tpu.memory_space<vmem>>, vector<1x16xf32>,
        %parallel_loop3A_307 = vector.shape_cast %parallel_loop3A_306 : vector<1x16xf32> to vector<16xf32>
        %parallel_loop3A_308 = arith.index_cast %parallel_loop3A_261 : i32 to index
        %parallel_loop3A_309 = arith.constant 64 : index
        %parallel_loop3A_310 = tpu.vector_load %arg9[%parallel_loop3A_308, %parallel_loop3A_309] {strides = array<i32>} : memref<128x128xf32, #tpu.memory_space<vmem>>, vector<1x16xf32>,
        %parallel_loop3A_311 = vector.shape_cast %parallel_loop3A_310 : vector<1x16xf32> to vector<16xf32>
        %parallel_loop3A_312 = vector.shape_cast %parallel_loop3A_307 : vector<16xf32> to vector<1x16xf32>
        tpu.vector_store %arg9[%parallel_loop3A_308, %parallel_loop3A_309], %parallel_loop3A_312 {add = true, strides = array<i32>} : memref<128x128xf32, #tpu.memory_space<vmem>>, vector<1x16xf32>,
        %parallel_loop3A_313 = arith.index_cast %parallel_loop3A_267 : i32 to index
        %parallel_loop3A_314 = arith.constant 80 : index
        %parallel_loop3A_315 = tpu.vector_load %arg6[%parallel_loop3A_313, %parallel_loop3A_314] {strides = array<i32>} : memref<200x128xf32, #tpu.memory_space<vmem>>, vector<1x16xf32>,
        %parallel_loop3A_316 = vector.shape_cast %parallel_loop3A_315 : vector<1x16xf32> to vector<16xf32>
        %parallel_loop3A_317 = arith.index_cast %parallel_loop3A_261 : i32 to index
        %parallel_loop3A_318 = arith.constant 80 : index
        %parallel_loop3A_319 = tpu.vector_load %arg9[%parallel_loop3A_317, %parallel_loop3A_318] {strides = array<i32>} : memref<128x128xf32, #tpu.memory_space<vmem>>, vector<1x16xf32>,
        %parallel_loop3A_320 = vector.shape_cast %parallel_loop3A_319 : vector<1x16xf32> to vector<16xf32>
        %parallel_loop3A_321 = vector.shape_cast %parallel_loop3A_316 : vector<16xf32> to vector<1x16xf32>
        tpu.vector_store %arg9[%parallel_loop3A_317, %parallel_loop3A_318], %parallel_loop3A_321 {add = true, strides = array<i32>} : memref<128x128xf32, #tpu.memory_space<vmem>>, vector<1x16xf32>,
        %parallel_loop3A_322 = arith.index_cast %parallel_loop3A_267 : i32 to index
        %parallel_loop3A_323 = arith.constant 96 : index
        %parallel_loop3A_324 = tpu.vector_load %arg6[%parallel_loop3A_322, %parallel_loop3A_323] {strides = array<i32>} : memref<200x128xf32, #tpu.memory_space<vmem>>, vector<1x16xf32>,
        %parallel_loop3A_325 = vector.shape_cast %parallel_loop3A_324 : vector<1x16xf32> to vector<16xf32>
        %parallel_loop3A_326 = arith.index_cast %parallel_loop3A_261 : i32 to index
        %parallel_loop3A_327 = arith.constant 96 : index
        %parallel_loop3A_328 = tpu.vector_load %arg9[%parallel_loop3A_326, %parallel_loop3A_327] {strides = array<i32>} : memref<128x128xf32, #tpu.memory_space<vmem>>, vector<1x16xf32>,
        %parallel_loop3A_329 = vector.shape_cast %parallel_loop3A_328 : vector<1x16xf32> to vector<16xf32>
        %parallel_loop3A_330 = vector.shape_cast %parallel_loop3A_325 : vector<16xf32> to vector<1x16xf32>
        tpu.vector_store %arg9[%parallel_loop3A_326, %parallel_loop3A_327], %parallel_loop3A_330 {add = true, strides = array<i32>} : memref<128x128xf32, #tpu.memory_space<vmem>>, vector<1x16xf32>,
        %parallel_loop3A_331 = arith.index_cast %parallel_loop3A_267 : i32 to index
        %parallel_loop3A_332 = arith.constant 112 : index
        %parallel_loop3A_333 = tpu.vector_load %arg6[%parallel_loop3A_331, %parallel_loop3A_332] {strides = array<i32>} : memref<200x128xf32, #tpu.memory_space<vmem>>, vector<1x16xf32>,
        %parallel_loop3A_334 = vector.shape_cast %parallel_loop3A_333 : vector<1x16xf32> to vector<16xf32>
        %parallel_loop3A_335 = arith.index_cast %parallel_loop3A_261 : i32 to index
        %parallel_loop3A_336 = arith.constant 112 : index
        %parallel_loop3A_337 = tpu.vector_load %arg9[%parallel_loop3A_335, %parallel_loop3A_336] {strides = array<i32>} : memref<128x128xf32, #tpu.memory_space<vmem>>, vector<1x16xf32>,
        %parallel_loop3A_338 = vector.shape_cast %parallel_loop3A_337 : vector<1x16xf32> to vector<16xf32>
        %parallel_loop3A_339 = vector.shape_cast %parallel_loop3A_334 : vector<16xf32> to vector<1x16xf32>
        tpu.vector_store %arg9[%parallel_loop3A_335, %parallel_loop3A_336], %parallel_loop3A_339 {add = true, strides = array<i32>} : memref<128x128xf32, #tpu.memory_space<vmem>>, vector<1x16xf32>,
      } {sc.loop_unroll_factor = 4 : i64, sc.parallel_access}
      %mul3A_128 = arith.constant 128 : i32
      %mul3A_129 = arith.muli %add3A_96, %mul3A_128 : i32
      %add3A_130 = arith.addi %mul3A_2, %mul3A_129 : i32
      %dma_start3A_131 = arith.constant 0 : i32
      %dma_start3A_132 = tpu.memref_slice %arg5[%add3A_130, %dma_start3A_131] : memref<204800x128xf32, #tpu.memory_space<hbm>> -> memref<128x128xf32, #tpu.memory_space<hbm>>
      %dma_start3A_133 = arith.constant 0 : i32
      %dma_start3A_134 = tpu.memref_slice %arg5[%add3A_130, %dma_start3A_133] : memref<204800x128xf32, #tpu.memory_space<hbm>> -> memref<128x128xf32, #tpu.memory_space<hbm>>
      tpu.enqueue_dma source(%arg9 : memref<128x128xf32, #tpu.memory_space<vmem>>) target(%dma_start3A_134 : memref<128x128xf32, #tpu.memory_space<hbm>>) target_semaphore(%arg19 : memref<!tpu.dma_semaphore, #tpu.memory_space<semaphore_mem>>)
      %mul3A_135 = arith.constant 5 : i32
      %mul3A_136 = arith.muli %scan3A_57, %mul3A_135 : i32
      %add3A_137 = arith.constant 2 : i32
      %add3A_138 = arith.addi %mul3A_136, %add3A_137 : i32
      %dma_wait3A_139 = arith.constant 0 : i32
      %dma_wait3A_140 = tpu.memref_slice %arg7[%add3A_138, %dma_wait3A_139] : memref<50x128xi32, #tpu.memory_space<vmem>> -> memref<1x128xi32, #tpu.memory_space<vmem>>
      %dma_wait3A_141 = tpu.memref_squeeze %dma_wait3A_140 : memref<1x128xi32, #tpu.memory_space<vmem>> -> memref<128xi32, #tpu.memory_space<vmem>>
      %dma_wait3A_142 = arith.constant 0 : i32
      %dma_wait3A_143 = arith.constant 0 : i32
      %dma_wait3A_144 = tpu.memref_slice %arg2[%dma_wait3A_142, %dma_wait3A_143] : memref<100000x128xf32, #tpu.memory_space<hbm>> -> memref<100000x128xf32, #tpu.memory_space<hbm>>
      tpu.wait_indirect_dma semaphore(%arg15 : memref<!tpu.dma_semaphore, #tpu.memory_space<semaphore_mem>>) src(%dma_wait3A_144 : memref<100000x128xf32, #tpu.memory_space<hbm>>) dst(%arg10 : memref<128x128xf32, #tpu.memory_space<vmem>>)
      %add3A_145 = arith.constant 3 : i32
      %add3A_146 = arith.addi %add3A_138, %add3A_145 : i32
      %ge3A_147 = arith.constant 2 : i32
      %ge3A_148 = arith.cmpi sge, %add3A_138, %ge3A_147 : i32
      %lt3A_149 = arith.constant 50 : i32
      %lt3A_150 = arith.cmpi slt, %add3A_146, %lt3A_149 : i32
      %and3A_151 = arith.andi %ge3A_148, %lt3A_150 : i1
      %convert_element_type3A_152 = arith.extui %and3A_151 : i1 to i32
      %cond3A_153 = arith.constant 0 : i32
      %cond3A_154 = arith.cmpi ne, %convert_element_type3A_152, %cond3A_153 : i32
      scf.if %cond3A_154 {
        %sub3A = arith.constant 2 : i32
        %sub3A_261 = arith.subi %add3A_138, %sub3A : i32
        %mul3A_262 = arith.constant 128 : i32
        %mul3A_263 = arith.muli %sub3A_261, %mul3A_262 : i32
        %add3A_264 = arith.addi %mul3A_2, %mul3A_263 : i32
        %dma_wait3A_265 = arith.constant 0 : i32
        %dma_wait3A_266 = tpu.memref_slice %arg5[%add3A_264, %dma_wait3A_265] : memref<204800x128xf32, #tpu.memory_space<hbm>> -> memref<128x128xf32, #tpu.memory_space<hbm>>
        %dma_wait3A_267 = arith.constant 0 : i32
        %dma_wait3A_268 = tpu.memref_slice %arg5[%add3A_264, %dma_wait3A_267] : memref<204800x128xf32, #tpu.memory_space<hbm>> -> memref<128x128xf32, #tpu.memory_space<hbm>>
        tpu.wait_dma2 semaphore(%arg18 : memref<!tpu.dma_semaphore, #tpu.memory_space<semaphore_mem>>) src(%arg8 : memref<128x128xf32, #tpu.memory_space<vmem>>) dst(%dma_wait3A_268 : memref<128x128xf32, #tpu.memory_space<hbm>>)
        %dma_start3A_269 = arith.constant 0 : i32
        %dma_start3A_270 = tpu.memref_slice %arg7[%add3A_146, %dma_start3A_269] : memref<50x128xi32, #tpu.memory_space<vmem>> -> memref<1x128xi32, #tpu.memory_space<vmem>>
        %dma_start3A_271 = tpu.memref_squeeze %dma_start3A_270 : memref<1x128xi32, #tpu.memory_space<vmem>> -> memref<128xi32, #tpu.memory_space<vmem>>
        %dma_start3A_272 = arith.constant 0 : i32
        %dma_start3A_273 = arith.constant 0 : i32
        %dma_start3A_274 = tpu.memref_slice %arg2[%dma_start3A_272, %dma_start3A_273] : memref<100000x128xf32, #tpu.memory_space<hbm>> -> memref<100000x128xf32, #tpu.memory_space<hbm>>
        tpu.enqueue_indirect_dma source(%dma_start3A_274 : memref<100000x128xf32, #tpu.memory_space<hbm>>) target(%arg8 : memref<128x128xf32, #tpu.memory_space<vmem>>) offsets(%dma_start3A_271 : memref<128xi32, #tpu.memory_space<vmem>>) semaphore(%arg13 : memref<!tpu.dma_semaphore, #tpu.memory_space<semaphore_mem>>)
      } else {
      }
      %lt3A_155 = arith.constant 2 : i32
      %lt3A_156 = arith.cmpi slt, %add3A_138, %lt3A_155 : i32
      %lt3A_157 = arith.constant 50 : i32
      %lt3A_158 = arith.cmpi slt, %add3A_146, %lt3A_157 : i32
      %and3A_159 = arith.andi %lt3A_156, %lt3A_158 : i1
      %convert_element_type3A_160 = arith.extui %and3A_159 : i1 to i32
      %cond3A_161 = arith.constant 0 : i32
      %cond3A_162 = arith.cmpi ne, %convert_element_type3A_160, %cond3A_161 : i32
      scf.if %cond3A_162 {
        %dma_start3A_261 = arith.constant 0 : i32
        %dma_start3A_262 = tpu.memref_slice %arg7[%add3A_146, %dma_start3A_261] : memref<50x128xi32, #tpu.memory_space<vmem>> -> memref<1x128xi32, #tpu.memory_space<vmem>>
        %dma_start3A_263 = tpu.memref_squeeze %dma_start3A_262 : memref<1x128xi32, #tpu.memory_space<vmem>> -> memref<128xi32, #tpu.memory_space<vmem>>
        %dma_start3A_264 = arith.constant 0 : i32
        %dma_start3A_265 = arith.constant 0 : i32
        %dma_start3A_266 = tpu.memref_slice %arg2[%dma_start3A_264, %dma_start3A_265] : memref<100000x128xf32, #tpu.memory_space<hbm>> -> memref<100000x128xf32, #tpu.memory_space<hbm>>
        tpu.enqueue_indirect_dma source(%dma_start3A_266 : memref<100000x128xf32, #tpu.memory_space<hbm>>) target(%arg8 : memref<128x128xf32, #tpu.memory_space<vmem>>) offsets(%dma_start3A_263 : memref<128xi32, #tpu.memory_space<vmem>>) semaphore(%arg13 : memref<!tpu.dma_semaphore, #tpu.memory_space<semaphore_mem>>)
      } else {
      }
      %mul3A_163 = arith.constant 128 : i32
      %mul3A_164 = arith.muli %add3A_138, %mul3A_163 : i32
      %rem3A_165 = arith.constant 200 : i32
      %rem3A_166 = arith.remsi %mul3A_164, %rem3A_165 : i32
      %parallel_loop3A_167 = arith.constant 0 : i32
      %parallel_loop3A_168 = arith.constant 128 : i32
      %parallel_loop3A_169 = arith.constant 1 : i32
      scf.for %parallel_loop3A_261 = %parallel_loop3A_167 to %parallel_loop3A_168 step %parallel_loop3A_169  : i32 {
        %parallel_loop3A_262 = arith.addi %rem3A_166, %parallel_loop3A_261 : i32
        %parallel_loop3A_263 = arith.constant 200 : i32
        %parallel_loop3A_264 = arith.cmpi sge, %parallel_loop3A_262, %parallel_loop3A_263 : i32
        %parallel_loop3A_265 = arith.constant 200 : i32
        %parallel_loop3A_266 = arith.subi %parallel_loop3A_262, %parallel_loop3A_265 : i32
        %parallel_loop3A_267 = arith.select %parallel_loop3A_264, %parallel_loop3A_266, %parallel_loop3A_262 : i32
        %parallel_loop3A_268 = arith.index_cast %parallel_loop3A_267 : i32 to index
        %parallel_loop3A_269 = arith.constant 0 : index
        %parallel_loop3A_270 = tpu.vector_load %arg6[%parallel_loop3A_268, %parallel_loop3A_269] {strides = array<i32>} : memref<200x128xf32, #tpu.memory_space<vmem>>, vector<1x16xf32>,
        %parallel_loop3A_271 = vector.shape_cast %parallel_loop3A_270 : vector<1x16xf32> to vector<16xf32>
        %parallel_loop3A_272 = arith.index_cast %parallel_loop3A_261 : i32 to index
        %parallel_loop3A_273 = arith.constant 0 : index
        %parallel_loop3A_274 = tpu.vector_load %arg10[%parallel_loop3A_272, %parallel_loop3A_273] {strides = array<i32>} : memref<128x128xf32, #tpu.memory_space<vmem>>, vector<1x16xf32>,
        %parallel_loop3A_275 = vector.shape_cast %parallel_loop3A_274 : vector<1x16xf32> to vector<16xf32>
        %parallel_loop3A_276 = vector.shape_cast %parallel_loop3A_271 : vector<16xf32> to vector<1x16xf32>
        tpu.vector_store %arg10[%parallel_loop3A_272, %parallel_loop3A_273], %parallel_loop3A_276 {add = true, strides = array<i32>} : memref<128x128xf32, #tpu.memory_space<vmem>>, vector<1x16xf32>,
        %parallel_loop3A_277 = arith.index_cast %parallel_loop3A_267 : i32 to index
        %parallel_loop3A_278 = arith.constant 16 : index
        %parallel_loop3A_279 = tpu.vector_load %arg6[%parallel_loop3A_277, %parallel_loop3A_278] {strides = array<i32>} : memref<200x128xf32, #tpu.memory_space<vmem>>, vector<1x16xf32>,
        %parallel_loop3A_280 = vector.shape_cast %parallel_loop3A_279 : vector<1x16xf32> to vector<16xf32>
        %parallel_loop3A_281 = arith.index_cast %parallel_loop3A_261 : i32 to index
        %parallel_loop3A_282 = arith.constant 16 : index
        %parallel_loop3A_283 = tpu.vector_load %arg10[%parallel_loop3A_281, %parallel_loop3A_282] {strides = array<i32>} : memref<128x128xf32, #tpu.memory_space<vmem>>, vector<1x16xf32>,
        %parallel_loop3A_284 = vector.shape_cast %parallel_loop3A_283 : vector<1x16xf32> to vector<16xf32>
        %parallel_loop3A_285 = vector.shape_cast %parallel_loop3A_280 : vector<16xf32> to vector<1x16xf32>
        tpu.vector_store %arg10[%parallel_loop3A_281, %parallel_loop3A_282], %parallel_loop3A_285 {add = true, strides = array<i32>} : memref<128x128xf32, #tpu.memory_space<vmem>>, vector<1x16xf32>,
        %parallel_loop3A_286 = arith.index_cast %parallel_loop3A_267 : i32 to index
        %parallel_loop3A_287 = arith.constant 32 : index
        %parallel_loop3A_288 = tpu.vector_load %arg6[%parallel_loop3A_286, %parallel_loop3A_287] {strides = array<i32>} : memref<200x128xf32, #tpu.memory_space<vmem>>, vector<1x16xf32>,
        %parallel_loop3A_289 = vector.shape_cast %parallel_loop3A_288 : vector<1x16xf32> to vector<16xf32>
        %parallel_loop3A_290 = arith.index_cast %parallel_loop3A_261 : i32 to index
        %parallel_loop3A_291 = arith.constant 32 : index
        %parallel_loop3A_292 = tpu.vector_load %arg10[%parallel_loop3A_290, %parallel_loop3A_291] {strides = array<i32>} : memref<128x128xf32, #tpu.memory_space<vmem>>, vector<1x16xf32>,
        %parallel_loop3A_293 = vector.shape_cast %parallel_loop3A_292 : vector<1x16xf32> to vector<16xf32>
        %parallel_loop3A_294 = vector.shape_cast %parallel_loop3A_289 : vector<16xf32> to vector<1x16xf32>
        tpu.vector_store %arg10[%parallel_loop3A_290, %parallel_loop3A_291], %parallel_loop3A_294 {add = true, strides = array<i32>} : memref<128x128xf32, #tpu.memory_space<vmem>>, vector<1x16xf32>,
        %parallel_loop3A_295 = arith.index_cast %parallel_loop3A_267 : i32 to index
        %parallel_loop3A_296 = arith.constant 48 : index
        %parallel_loop3A_297 = tpu.vector_load %arg6[%parallel_loop3A_295, %parallel_loop3A_296] {strides = array<i32>} : memref<200x128xf32, #tpu.memory_space<vmem>>, vector<1x16xf32>,
        %parallel_loop3A_298 = vector.shape_cast %parallel_loop3A_297 : vector<1x16xf32> to vector<16xf32>
        %parallel_loop3A_299 = arith.index_cast %parallel_loop3A_261 : i32 to index
        %parallel_loop3A_300 = arith.constant 48 : index
        %parallel_loop3A_301 = tpu.vector_load %arg10[%parallel_loop3A_299, %parallel_loop3A_300] {strides = array<i32>} : memref<128x128xf32, #tpu.memory_space<vmem>>, vector<1x16xf32>,
        %parallel_loop3A_302 = vector.shape_cast %parallel_loop3A_301 : vector<1x16xf32> to vector<16xf32>
        %parallel_loop3A_303 = vector.shape_cast %parallel_loop3A_298 : vector<16xf32> to vector<1x16xf32>
        tpu.vector_store %arg10[%parallel_loop3A_299, %parallel_loop3A_300], %parallel_loop3A_303 {add = true, strides = array<i32>} : memref<128x128xf32, #tpu.memory_space<vmem>>, vector<1x16xf32>,
        %parallel_loop3A_304 = arith.index_cast %parallel_loop3A_267 : i32 to index
        %parallel_loop3A_305 = arith.constant 64 : index
        %parallel_loop3A_306 = tpu.vector_load %arg6[%parallel_loop3A_304, %parallel_loop3A_305] {strides = array<i32>} : memref<200x128xf32, #tpu.memory_space<vmem>>, vector<1x16xf32>,
        %parallel_loop3A_307 = vector.shape_cast %parallel_loop3A_306 : vector<1x16xf32> to vector<16xf32>
        %parallel_loop3A_308 = arith.index_cast %parallel_loop3A_261 : i32 to index
        %parallel_loop3A_309 = arith.constant 64 : index
        %parallel_loop3A_310 = tpu.vector_load %arg10[%parallel_loop3A_308, %parallel_loop3A_309] {strides = array<i32>} : memref<128x128xf32, #tpu.memory_space<vmem>>, vector<1x16xf32>,
        %parallel_loop3A_311 = vector.shape_cast %parallel_loop3A_310 : vector<1x16xf32> to vector<16xf32>
        %parallel_loop3A_312 = vector.shape_cast %parallel_loop3A_307 : vector<16xf32> to vector<1x16xf32>
        tpu.vector_store %arg10[%parallel_loop3A_308, %parallel_loop3A_309], %parallel_loop3A_312 {add = true, strides = array<i32>} : memref<128x128xf32, #tpu.memory_space<vmem>>, vector<1x16xf32>,
        %parallel_loop3A_313 = arith.index_cast %parallel_loop3A_267 : i32 to index
        %parallel_loop3A_314 = arith.constant 80 : index
        %parallel_loop3A_315 = tpu.vector_load %arg6[%parallel_loop3A_313, %parallel_loop3A_314] {strides = array<i32>} : memref<200x128xf32, #tpu.memory_space<vmem>>, vector<1x16xf32>,
        %parallel_loop3A_316 = vector.shape_cast %parallel_loop3A_315 : vector<1x16xf32> to vector<16xf32>
        %parallel_loop3A_317 = arith.index_cast %parallel_loop3A_261 : i32 to index
        %parallel_loop3A_318 = arith.constant 80 : index
        %parallel_loop3A_319 = tpu.vector_load %arg10[%parallel_loop3A_317, %parallel_loop3A_318] {strides = array<i32>} : memref<128x128xf32, #tpu.memory_space<vmem>>, vector<1x16xf32>,
        %parallel_loop3A_320 = vector.shape_cast %parallel_loop3A_319 : vector<1x16xf32> to vector<16xf32>
        %parallel_loop3A_321 = vector.shape_cast %parallel_loop3A_316 : vector<16xf32> to vector<1x16xf32>
        tpu.vector_store %arg10[%parallel_loop3A_317, %parallel_loop3A_318], %parallel_loop3A_321 {add = true, strides = array<i32>} : memref<128x128xf32, #tpu.memory_space<vmem>>, vector<1x16xf32>,
        %parallel_loop3A_322 = arith.index_cast %parallel_loop3A_267 : i32 to index
        %parallel_loop3A_323 = arith.constant 96 : index
        %parallel_loop3A_324 = tpu.vector_load %arg6[%parallel_loop3A_322, %parallel_loop3A_323] {strides = array<i32>} : memref<200x128xf32, #tpu.memory_space<vmem>>, vector<1x16xf32>,
        %parallel_loop3A_325 = vector.shape_cast %parallel_loop3A_324 : vector<1x16xf32> to vector<16xf32>
        %parallel_loop3A_326 = arith.index_cast %parallel_loop3A_261 : i32 to index
        %parallel_loop3A_327 = arith.constant 96 : index
        %parallel_loop3A_328 = tpu.vector_load %arg10[%parallel_loop3A_326, %parallel_loop3A_327] {strides = array<i32>} : memref<128x128xf32, #tpu.memory_space<vmem>>, vector<1x16xf32>,
        %parallel_loop3A_329 = vector.shape_cast %parallel_loop3A_328 : vector<1x16xf32> to vector<16xf32>
        %parallel_loop3A_330 = vector.shape_cast %parallel_loop3A_325 : vector<16xf32> to vector<1x16xf32>
        tpu.vector_store %arg10[%parallel_loop3A_326, %parallel_loop3A_327], %parallel_loop3A_330 {add = true, strides = array<i32>} : memref<128x128xf32, #tpu.memory_space<vmem>>, vector<1x16xf32>,
        %parallel_loop3A_331 = arith.index_cast %parallel_loop3A_267 : i32 to index
        %parallel_loop3A_332 = arith.constant 112 : index
        %parallel_loop3A_333 = tpu.vector_load %arg6[%parallel_loop3A_331, %parallel_loop3A_332] {strides = array<i32>} : memref<200x128xf32, #tpu.memory_space<vmem>>, vector<1x16xf32>,
        %parallel_loop3A_334 = vector.shape_cast %parallel_loop3A_333 : vector<1x16xf32> to vector<16xf32>
        %parallel_loop3A_335 = arith.index_cast %parallel_loop3A_261 : i32 to index
        %parallel_loop3A_336 = arith.constant 112 : index
        %parallel_loop3A_337 = tpu.vector_load %arg10[%parallel_loop3A_335, %parallel_loop3A_336] {strides = array<i32>} : memref<128x128xf32, #tpu.memory_space<vmem>>, vector<1x16xf32>,
        %parallel_loop3A_338 = vector.shape_cast %parallel_loop3A_337 : vector<1x16xf32> to vector<16xf32>
        %parallel_loop3A_339 = vector.shape_cast %parallel_loop3A_334 : vector<16xf32> to vector<1x16xf32>
        tpu.vector_store %arg10[%parallel_loop3A_335, %parallel_loop3A_336], %parallel_loop3A_339 {add = true, strides = array<i32>} : memref<128x128xf32, #tpu.memory_space<vmem>>, vector<1x16xf32>,
      } {sc.loop_unroll_factor = 4 : i64, sc.parallel_access}
      %mul3A_170 = arith.constant 128 : i32
      %mul3A_171 = arith.muli %add3A_138, %mul3A_170 : i32
      %add3A_172 = arith.addi %mul3A_2, %mul3A_171 : i32
      %dma_start3A_173 = arith.constant 0 : i32
      %dma_start3A_174 = tpu.memref_slice %arg5[%add3A_172, %dma_start3A_173] : memref<204800x128xf32, #tpu.memory_space<hbm>> -> memref<128x128xf32, #tpu.memory_space<hbm>>
      %dma_start3A_175 = arith.constant 0 : i32
      %dma_start3A_176 = tpu.memref_slice %arg5[%add3A_172, %dma_start3A_175] : memref<204800x128xf32, #tpu.memory_space<hbm>> -> memref<128x128xf32, #tpu.memory_space<hbm>>
      tpu.enqueue_dma source(%arg10 : memref<128x128xf32, #tpu.memory_space<vmem>>) target(%dma_start3A_176 : memref<128x128xf32, #tpu.memory_space<hbm>>) target_semaphore(%arg20 : memref<!tpu.dma_semaphore, #tpu.memory_space<semaphore_mem>>)
      %mul3A_177 = arith.constant 5 : i32
      %mul3A_178 = arith.muli %scan3A_57, %mul3A_177 : i32
      %add3A_179 = arith.constant 3 : i32
      %add3A_180 = arith.addi %mul3A_178, %add3A_179 : i32
      %dma_wait3A_181 = arith.constant 0 : i32
      %dma_wait3A_182 = tpu.memref_slice %arg7[%add3A_180, %dma_wait3A_181] : memref<50x128xi32, #tpu.memory_space<vmem>> -> memref<1x128xi32, #tpu.memory_space<vmem>>
      %dma_wait3A_183 = tpu.memref_squeeze %dma_wait3A_182 : memref<1x128xi32, #tpu.memory_space<vmem>> -> memref<128xi32, #tpu.memory_space<vmem>>
      %dma_wait3A_184 = arith.constant 0 : i32
      %dma_wait3A_185 = arith.constant 0 : i32
      %dma_wait3A_186 = tpu.memref_slice %arg2[%dma_wait3A_184, %dma_wait3A_185] : memref<100000x128xf32, #tpu.memory_space<hbm>> -> memref<100000x128xf32, #tpu.memory_space<hbm>>
      tpu.wait_indirect_dma semaphore(%arg16 : memref<!tpu.dma_semaphore, #tpu.memory_space<semaphore_mem>>) src(%dma_wait3A_186 : memref<100000x128xf32, #tpu.memory_space<hbm>>) dst(%arg11 : memref<128x128xf32, #tpu.memory_space<vmem>>)
      %add3A_187 = arith.constant 3 : i32
      %add3A_188 = arith.addi %add3A_180, %add3A_187 : i32
      %ge3A_189 = arith.constant 2 : i32
      %ge3A_190 = arith.cmpi sge, %add3A_180, %ge3A_189 : i32
      %lt3A_191 = arith.constant 50 : i32
      %lt3A_192 = arith.cmpi slt, %add3A_188, %lt3A_191 : i32
      %and3A_193 = arith.andi %ge3A_190, %lt3A_192 : i1
      %convert_element_type3A_194 = arith.extui %and3A_193 : i1 to i32
      %cond3A_195 = arith.constant 0 : i32
      %cond3A_196 = arith.cmpi ne, %convert_element_type3A_194, %cond3A_195 : i32
      scf.if %cond3A_196 {
        %sub3A = arith.constant 2 : i32
        %sub3A_261 = arith.subi %add3A_180, %sub3A : i32
        %mul3A_262 = arith.constant 128 : i32
        %mul3A_263 = arith.muli %sub3A_261, %mul3A_262 : i32
        %add3A_264 = arith.addi %mul3A_2, %mul3A_263 : i32
        %dma_wait3A_265 = arith.constant 0 : i32
        %dma_wait3A_266 = tpu.memref_slice %arg5[%add3A_264, %dma_wait3A_265] : memref<204800x128xf32, #tpu.memory_space<hbm>> -> memref<128x128xf32, #tpu.memory_space<hbm>>
        %dma_wait3A_267 = arith.constant 0 : i32
        %dma_wait3A_268 = tpu.memref_slice %arg5[%add3A_264, %dma_wait3A_267] : memref<204800x128xf32, #tpu.memory_space<hbm>> -> memref<128x128xf32, #tpu.memory_space<hbm>>
        tpu.wait_dma2 semaphore(%arg19 : memref<!tpu.dma_semaphore, #tpu.memory_space<semaphore_mem>>) src(%arg9 : memref<128x128xf32, #tpu.memory_space<vmem>>) dst(%dma_wait3A_268 : memref<128x128xf32, #tpu.memory_space<hbm>>)
        %dma_start3A_269 = arith.constant 0 : i32
        %dma_start3A_270 = tpu.memref_slice %arg7[%add3A_188, %dma_start3A_269] : memref<50x128xi32, #tpu.memory_space<vmem>> -> memref<1x128xi32, #tpu.memory_space<vmem>>
        %dma_start3A_271 = tpu.memref_squeeze %dma_start3A_270 : memref<1x128xi32, #tpu.memory_space<vmem>> -> memref<128xi32, #tpu.memory_space<vmem>>
        %dma_start3A_272 = arith.constant 0 : i32
        %dma_start3A_273 = arith.constant 0 : i32
        %dma_start3A_274 = tpu.memref_slice %arg2[%dma_start3A_272, %dma_start3A_273] : memref<100000x128xf32, #tpu.memory_space<hbm>> -> memref<100000x128xf32, #tpu.memory_space<hbm>>
        tpu.enqueue_indirect_dma source(%dma_start3A_274 : memref<100000x128xf32, #tpu.memory_space<hbm>>) target(%arg9 : memref<128x128xf32, #tpu.memory_space<vmem>>) offsets(%dma_start3A_271 : memref<128xi32, #tpu.memory_space<vmem>>) semaphore(%arg14 : memref<!tpu.dma_semaphore, #tpu.memory_space<semaphore_mem>>)
      } else {
      }
      %lt3A_197 = arith.constant 2 : i32
      %lt3A_198 = arith.cmpi slt, %add3A_180, %lt3A_197 : i32
      %lt3A_199 = arith.constant 50 : i32
      %lt3A_200 = arith.cmpi slt, %add3A_188, %lt3A_199 : i32
      %and3A_201 = arith.andi %lt3A_198, %lt3A_200 : i1
      %convert_element_type3A_202 = arith.extui %and3A_201 : i1 to i32
      %cond3A_203 = arith.constant 0 : i32
      %cond3A_204 = arith.cmpi ne, %convert_element_type3A_202, %cond3A_203 : i32
      scf.if %cond3A_204 {
        %dma_start3A_261 = arith.constant 0 : i32
        %dma_start3A_262 = tpu.memref_slice %arg7[%add3A_188, %dma_start3A_261] : memref<50x128xi32, #tpu.memory_space<vmem>> -> memref<1x128xi32, #tpu.memory_space<vmem>>
        %dma_start3A_263 = tpu.memref_squeeze %dma_start3A_262 : memref<1x128xi32, #tpu.memory_space<vmem>> -> memref<128xi32, #tpu.memory_space<vmem>>
        %dma_start3A_264 = arith.constant 0 : i32
        %dma_start3A_265 = arith.constant 0 : i32
        %dma_start3A_266 = tpu.memref_slice %arg2[%dma_start3A_264, %dma_start3A_265] : memref<100000x128xf32, #tpu.memory_space<hbm>> -> memref<100000x128xf32, #tpu.memory_space<hbm>>
        tpu.enqueue_indirect_dma source(%dma_start3A_266 : memref<100000x128xf32, #tpu.memory_space<hbm>>) target(%arg9 : memref<128x128xf32, #tpu.memory_space<vmem>>) offsets(%dma_start3A_263 : memref<128xi32, #tpu.memory_space<vmem>>) semaphore(%arg14 : memref<!tpu.dma_semaphore, #tpu.memory_space<semaphore_mem>>)
      } else {
      }
      %mul3A_205 = arith.constant 128 : i32
      %mul3A_206 = arith.muli %add3A_180, %mul3A_205 : i32
      %rem3A_207 = arith.constant 200 : i32
      %rem3A_208 = arith.remsi %mul3A_206, %rem3A_207 : i32
      %parallel_loop3A_209 = arith.constant 0 : i32
      %parallel_loop3A_210 = arith.constant 128 : i32
      %parallel_loop3A_211 = arith.constant 1 : i32
      scf.for %parallel_loop3A_261 = %parallel_loop3A_209 to %parallel_loop3A_210 step %parallel_loop3A_211  : i32 {
        %parallel_loop3A_262 = arith.addi %rem3A_208, %parallel_loop3A_261 : i32
        %parallel_loop3A_263 = arith.constant 200 : i32
        %parallel_loop3A_264 = arith.cmpi sge, %parallel_loop3A_262, %parallel_loop3A_263 : i32
        %parallel_loop3A_265 = arith.constant 200 : i32
        %parallel_loop3A_266 = arith.subi %parallel_loop3A_262, %parallel_loop3A_265 : i32
        %parallel_loop3A_267 = arith.select %parallel_loop3A_264, %parallel_loop3A_266, %parallel_loop3A_262 : i32
        %parallel_loop3A_268 = arith.index_cast %parallel_loop3A_267 : i32 to index
        %parallel_loop3A_269 = arith.constant 0 : index
        %parallel_loop3A_270 = tpu.vector_load %arg6[%parallel_loop3A_268, %parallel_loop3A_269] {strides = array<i32>} : memref<200x128xf32, #tpu.memory_space<vmem>>, vector<1x16xf32>,
        %parallel_loop3A_271 = vector.shape_cast %parallel_loop3A_270 : vector<1x16xf32> to vector<16xf32>
        %parallel_loop3A_272 = arith.index_cast %parallel_loop3A_261 : i32 to index
        %parallel_loop3A_273 = arith.constant 0 : index
        %parallel_loop3A_274 = tpu.vector_load %arg11[%parallel_loop3A_272, %parallel_loop3A_273] {strides = array<i32>} : memref<128x128xf32, #tpu.memory_space<vmem>>, vector<1x16xf32>,
        %parallel_loop3A_275 = vector.shape_cast %parallel_loop3A_274 : vector<1x16xf32> to vector<16xf32>
        %parallel_loop3A_276 = vector.shape_cast %parallel_loop3A_271 : vector<16xf32> to vector<1x16xf32>
        tpu.vector_store %arg11[%parallel_loop3A_272, %parallel_loop3A_273], %parallel_loop3A_276 {add = true, strides = array<i32>} : memref<128x128xf32, #tpu.memory_space<vmem>>, vector<1x16xf32>,
        %parallel_loop3A_277 = arith.index_cast %parallel_loop3A_267 : i32 to index
        %parallel_loop3A_278 = arith.constant 16 : index
        %parallel_loop3A_279 = tpu.vector_load %arg6[%parallel_loop3A_277, %parallel_loop3A_278] {strides = array<i32>} : memref<200x128xf32, #tpu.memory_space<vmem>>, vector<1x16xf32>,
        %parallel_loop3A_280 = vector.shape_cast %parallel_loop3A_279 : vector<1x16xf32> to vector<16xf32>
        %parallel_loop3A_281 = arith.index_cast %parallel_loop3A_261 : i32 to index
        %parallel_loop3A_282 = arith.constant 16 : index
        %parallel_loop3A_283 = tpu.vector_load %arg11[%parallel_loop3A_281, %parallel_loop3A_282] {strides = array<i32>} : memref<128x128xf32, #tpu.memory_space<vmem>>, vector<1x16xf32>,
        %parallel_loop3A_284 = vector.shape_cast %parallel_loop3A_283 : vector<1x16xf32> to vector<16xf32>
        %parallel_loop3A_285 = vector.shape_cast %parallel_loop3A_280 : vector<16xf32> to vector<1x16xf32>
        tpu.vector_store %arg11[%parallel_loop3A_281, %parallel_loop3A_282], %parallel_loop3A_285 {add = true, strides = array<i32>} : memref<128x128xf32, #tpu.memory_space<vmem>>, vector<1x16xf32>,
        %parallel_loop3A_286 = arith.index_cast %parallel_loop3A_267 : i32 to index
        %parallel_loop3A_287 = arith.constant 32 : index
        %parallel_loop3A_288 = tpu.vector_load %arg6[%parallel_loop3A_286, %parallel_loop3A_287] {strides = array<i32>} : memref<200x128xf32, #tpu.memory_space<vmem>>, vector<1x16xf32>,
        %parallel_loop3A_289 = vector.shape_cast %parallel_loop3A_288 : vector<1x16xf32> to vector<16xf32>
        %parallel_loop3A_290 = arith.index_cast %parallel_loop3A_261 : i32 to index
        %parallel_loop3A_291 = arith.constant 32 : index
        %parallel_loop3A_292 = tpu.vector_load %arg11[%parallel_loop3A_290, %parallel_loop3A_291] {strides = array<i32>} : memref<128x128xf32, #tpu.memory_space<vmem>>, vector<1x16xf32>,
        %parallel_loop3A_293 = vector.shape_cast %parallel_loop3A_292 : vector<1x16xf32> to vector<16xf32>
        %parallel_loop3A_294 = vector.shape_cast %parallel_loop3A_289 : vector<16xf32> to vector<1x16xf32>
        tpu.vector_store %arg11[%parallel_loop3A_290, %parallel_loop3A_291], %parallel_loop3A_294 {add = true, strides = array<i32>} : memref<128x128xf32, #tpu.memory_space<vmem>>, vector<1x16xf32>,
        %parallel_loop3A_295 = arith.index_cast %parallel_loop3A_267 : i32 to index
        %parallel_loop3A_296 = arith.constant 48 : index
        %parallel_loop3A_297 = tpu.vector_load %arg6[%parallel_loop3A_295, %parallel_loop3A_296] {strides = array<i32>} : memref<200x128xf32, #tpu.memory_space<vmem>>, vector<1x16xf32>,
        %parallel_loop3A_298 = vector.shape_cast %parallel_loop3A_297 : vector<1x16xf32> to vector<16xf32>
        %parallel_loop3A_299 = arith.index_cast %parallel_loop3A_261 : i32 to index
        %parallel_loop3A_300 = arith.constant 48 : index
        %parallel_loop3A_301 = tpu.vector_load %arg11[%parallel_loop3A_299, %parallel_loop3A_300] {strides = array<i32>} : memref<128x128xf32, #tpu.memory_space<vmem>>, vector<1x16xf32>,
        %parallel_loop3A_302 = vector.shape_cast %parallel_loop3A_301 : vector<1x16xf32> to vector<16xf32>
        %parallel_loop3A_303 = vector.shape_cast %parallel_loop3A_298 : vector<16xf32> to vector<1x16xf32>
        tpu.vector_store %arg11[%parallel_loop3A_299, %parallel_loop3A_300], %parallel_loop3A_303 {add = true, strides = array<i32>} : memref<128x128xf32, #tpu.memory_space<vmem>>, vector<1x16xf32>,
        %parallel_loop3A_304 = arith.index_cast %parallel_loop3A_267 : i32 to index
        %parallel_loop3A_305 = arith.constant 64 : index
        %parallel_loop3A_306 = tpu.vector_load %arg6[%parallel_loop3A_304, %parallel_loop3A_305] {strides = array<i32>} : memref<200x128xf32, #tpu.memory_space<vmem>>, vector<1x16xf32>,
        %parallel_loop3A_307 = vector.shape_cast %parallel_loop3A_306 : vector<1x16xf32> to vector<16xf32>
        %parallel_loop3A_308 = arith.index_cast %parallel_loop3A_261 : i32 to index
        %parallel_loop3A_309 = arith.constant 64 : index
        %parallel_loop3A_310 = tpu.vector_load %arg11[%parallel_loop3A_308, %parallel_loop3A_309] {strides = array<i32>} : memref<128x128xf32, #tpu.memory_space<vmem>>, vector<1x16xf32>,
        %parallel_loop3A_311 = vector.shape_cast %parallel_loop3A_310 : vector<1x16xf32> to vector<16xf32>
        %parallel_loop3A_312 = vector.shape_cast %parallel_loop3A_307 : vector<16xf32> to vector<1x16xf32>
        tpu.vector_store %arg11[%parallel_loop3A_308, %parallel_loop3A_309], %parallel_loop3A_312 {add = true, strides = array<i32>} : memref<128x128xf32, #tpu.memory_space<vmem>>, vector<1x16xf32>,
        %parallel_loop3A_313 = arith.index_cast %parallel_loop3A_267 : i32 to index
        %parallel_loop3A_314 = arith.constant 80 : index
        %parallel_loop3A_315 = tpu.vector_load %arg6[%parallel_loop3A_313, %parallel_loop3A_314] {strides = array<i32>} : memref<200x128xf32, #tpu.memory_space<vmem>>, vector<1x16xf32>,
        %parallel_loop3A_316 = vector.shape_cast %parallel_loop3A_315 : vector<1x16xf32> to vector<16xf32>
        %parallel_loop3A_317 = arith.index_cast %parallel_loop3A_261 : i32 to index
        %parallel_loop3A_318 = arith.constant 80 : index
        %parallel_loop3A_319 = tpu.vector_load %arg11[%parallel_loop3A_317, %parallel_loop3A_318] {strides = array<i32>} : memref<128x128xf32, #tpu.memory_space<vmem>>, vector<1x16xf32>,
        %parallel_loop3A_320 = vector.shape_cast %parallel_loop3A_319 : vector<1x16xf32> to vector<16xf32>
        %parallel_loop3A_321 = vector.shape_cast %parallel_loop3A_316 : vector<16xf32> to vector<1x16xf32>
        tpu.vector_store %arg11[%parallel_loop3A_317, %parallel_loop3A_318], %parallel_loop3A_321 {add = true, strides = array<i32>} : memref<128x128xf32, #tpu.memory_space<vmem>>, vector<1x16xf32>,
        %parallel_loop3A_322 = arith.index_cast %parallel_loop3A_267 : i32 to index
        %parallel_loop3A_323 = arith.constant 96 : index
        %parallel_loop3A_324 = tpu.vector_load %arg6[%parallel_loop3A_322, %parallel_loop3A_323] {strides = array<i32>} : memref<200x128xf32, #tpu.memory_space<vmem>>, vector<1x16xf32>,
        %parallel_loop3A_325 = vector.shape_cast %parallel_loop3A_324 : vector<1x16xf32> to vector<16xf32>
        %parallel_loop3A_326 = arith.index_cast %parallel_loop3A_261 : i32 to index
        %parallel_loop3A_327 = arith.constant 96 : index
        %parallel_loop3A_328 = tpu.vector_load %arg11[%parallel_loop3A_326, %parallel_loop3A_327] {strides = array<i32>} : memref<128x128xf32, #tpu.memory_space<vmem>>, vector<1x16xf32>,
        %parallel_loop3A_329 = vector.shape_cast %parallel_loop3A_328 : vector<1x16xf32> to vector<16xf32>
        %parallel_loop3A_330 = vector.shape_cast %parallel_loop3A_325 : vector<16xf32> to vector<1x16xf32>
        tpu.vector_store %arg11[%parallel_loop3A_326, %parallel_loop3A_327], %parallel_loop3A_330 {add = true, strides = array<i32>} : memref<128x128xf32, #tpu.memory_space<vmem>>, vector<1x16xf32>,
        %parallel_loop3A_331 = arith.index_cast %parallel_loop3A_267 : i32 to index
        %parallel_loop3A_332 = arith.constant 112 : index
        %parallel_loop3A_333 = tpu.vector_load %arg6[%parallel_loop3A_331, %parallel_loop3A_332] {strides = array<i32>} : memref<200x128xf32, #tpu.memory_space<vmem>>, vector<1x16xf32>,
        %parallel_loop3A_334 = vector.shape_cast %parallel_loop3A_333 : vector<1x16xf32> to vector<16xf32>
        %parallel_loop3A_335 = arith.index_cast %parallel_loop3A_261 : i32 to index
        %parallel_loop3A_336 = arith.constant 112 : index
        %parallel_loop3A_337 = tpu.vector_load %arg11[%parallel_loop3A_335, %parallel_loop3A_336] {strides = array<i32>} : memref<128x128xf32, #tpu.memory_space<vmem>>, vector<1x16xf32>,
        %parallel_loop3A_338 = vector.shape_cast %parallel_loop3A_337 : vector<1x16xf32> to vector<16xf32>
        %parallel_loop3A_339 = vector.shape_cast %parallel_loop3A_334 : vector<16xf32> to vector<1x16xf32>
        tpu.vector_store %arg11[%parallel_loop3A_335, %parallel_loop3A_336], %parallel_loop3A_339 {add = true, strides = array<i32>} : memref<128x128xf32, #tpu.memory_space<vmem>>, vector<1x16xf32>,
      } {sc.loop_unroll_factor = 4 : i64, sc.parallel_access}
      %mul3A_212 = arith.constant 128 : i32
      %mul3A_213 = arith.muli %add3A_180, %mul3A_212 : i32
      %add3A_214 = arith.addi %mul3A_2, %mul3A_213 : i32
      %dma_start3A_215 = arith.constant 0 : i32
      %dma_start3A_216 = tpu.memref_slice %arg5[%add3A_214, %dma_start3A_215] : memref<204800x128xf32, #tpu.memory_space<hbm>> -> memref<128x128xf32, #tpu.memory_space<hbm>>
      %dma_start3A_217 = arith.constant 0 : i32
      %dma_start3A_218 = tpu.memref_slice %arg5[%add3A_214, %dma_start3A_217] : memref<204800x128xf32, #tpu.memory_space<hbm>> -> memref<128x128xf32, #tpu.memory_space<hbm>>
      tpu.enqueue_dma source(%arg11 : memref<128x128xf32, #tpu.memory_space<vmem>>) target(%dma_start3A_218 : memref<128x128xf32, #tpu.memory_space<hbm>>) target_semaphore(%arg21 : memref<!tpu.dma_semaphore, #tpu.memory_space<semaphore_mem>>)
      %mul3A_219 = arith.constant 5 : i32
      %mul3A_220 = arith.muli %scan3A_57, %mul3A_219 : i32
      %add3A_221 = arith.constant 4 : i32
      %add3A_222 = arith.addi %mul3A_220, %add3A_221 : i32
      %dma_wait3A_223 = arith.constant 0 : i32
      %dma_wait3A_224 = tpu.memref_slice %arg7[%add3A_222, %dma_wait3A_223] : memref<50x128xi32, #tpu.memory_space<vmem>> -> memref<1x128xi32, #tpu.memory_space<vmem>>
      %dma_wait3A_225 = tpu.memref_squeeze %dma_wait3A_224 : memref<1x128xi32, #tpu.memory_space<vmem>> -> memref<128xi32, #tpu.memory_space<vmem>>
      %dma_wait3A_226 = arith.constant 0 : i32
      %dma_wait3A_227 = arith.constant 0 : i32
      %dma_wait3A_228 = tpu.memref_slice %arg2[%dma_wait3A_226, %dma_wait3A_227] : memref<100000x128xf32, #tpu.memory_space<hbm>> -> memref<100000x128xf32, #tpu.memory_space<hbm>>
      tpu.wait_indirect_dma semaphore(%arg17 : memref<!tpu.dma_semaphore, #tpu.memory_space<semaphore_mem>>) src(%dma_wait3A_228 : memref<100000x128xf32, #tpu.memory_space<hbm>>) dst(%arg12 : memref<128x128xf32, #tpu.memory_space<vmem>>)
      %add3A_229 = arith.constant 3 : i32
      %add3A_230 = arith.addi %add3A_222, %add3A_229 : i32
      %ge3A_231 = arith.constant 2 : i32
      %ge3A_232 = arith.cmpi sge, %add3A_222, %ge3A_231 : i32
      %lt3A_233 = arith.constant 50 : i32
      %lt3A_234 = arith.cmpi slt, %add3A_230, %lt3A_233 : i32
      %and3A_235 = arith.andi %ge3A_232, %lt3A_234 : i1
      %convert_element_type3A_236 = arith.extui %and3A_235 : i1 to i32
      %cond3A_237 = arith.constant 0 : i32
      %cond3A_238 = arith.cmpi ne, %convert_element_type3A_236, %cond3A_237 : i32
      scf.if %cond3A_238 {
        %sub3A = arith.constant 2 : i32
        %sub3A_261 = arith.subi %add3A_222, %sub3A : i32
        %mul3A_262 = arith.constant 128 : i32
        %mul3A_263 = arith.muli %sub3A_261, %mul3A_262 : i32
        %add3A_264 = arith.addi %mul3A_2, %mul3A_263 : i32
        %dma_wait3A_265 = arith.constant 0 : i32
        %dma_wait3A_266 = tpu.memref_slice %arg5[%add3A_264, %dma_wait3A_265] : memref<204800x128xf32, #tpu.memory_space<hbm>> -> memref<128x128xf32, #tpu.memory_space<hbm>>
        %dma_wait3A_267 = arith.constant 0 : i32
        %dma_wait3A_268 = tpu.memref_slice %arg5[%add3A_264, %dma_wait3A_267] : memref<204800x128xf32, #tpu.memory_space<hbm>> -> memref<128x128xf32, #tpu.memory_space<hbm>>
        tpu.wait_dma2 semaphore(%arg20 : memref<!tpu.dma_semaphore, #tpu.memory_space<semaphore_mem>>) src(%arg10 : memref<128x128xf32, #tpu.memory_space<vmem>>) dst(%dma_wait3A_268 : memref<128x128xf32, #tpu.memory_space<hbm>>)
        %dma_start3A_269 = arith.constant 0 : i32
        %dma_start3A_270 = tpu.memref_slice %arg7[%add3A_230, %dma_start3A_269] : memref<50x128xi32, #tpu.memory_space<vmem>> -> memref<1x128xi32, #tpu.memory_space<vmem>>
        %dma_start3A_271 = tpu.memref_squeeze %dma_start3A_270 : memref<1x128xi32, #tpu.memory_space<vmem>> -> memref<128xi32, #tpu.memory_space<vmem>>
        %dma_start3A_272 = arith.constant 0 : i32
        %dma_start3A_273 = arith.constant 0 : i32
        %dma_start3A_274 = tpu.memref_slice %arg2[%dma_start3A_272, %dma_start3A_273] : memref<100000x128xf32, #tpu.memory_space<hbm>> -> memref<100000x128xf32, #tpu.memory_space<hbm>>
        tpu.enqueue_indirect_dma source(%dma_start3A_274 : memref<100000x128xf32, #tpu.memory_space<hbm>>) target(%arg10 : memref<128x128xf32, #tpu.memory_space<vmem>>) offsets(%dma_start3A_271 : memref<128xi32, #tpu.memory_space<vmem>>) semaphore(%arg15 : memref<!tpu.dma_semaphore, #tpu.memory_space<semaphore_mem>>)
      } else {
      }
      %lt3A_239 = arith.constant 2 : i32
      %lt3A_240 = arith.cmpi slt, %add3A_222, %lt3A_239 : i32
      %lt3A_241 = arith.constant 50 : i32
      %lt3A_242 = arith.cmpi slt, %add3A_230, %lt3A_241 : i32
      %and3A_243 = arith.andi %lt3A_240, %lt3A_242 : i1
      %convert_element_type3A_244 = arith.extui %and3A_243 : i1 to i32
      %cond3A_245 = arith.constant 0 : i32
      %cond3A_246 = arith.cmpi ne, %convert_element_type3A_244, %cond3A_245 : i32
      scf.if %cond3A_246 {
        %dma_start3A_261 = arith.constant 0 : i32
        %dma_start3A_262 = tpu.memref_slice %arg7[%add3A_230, %dma_start3A_261] : memref<50x128xi32, #tpu.memory_space<vmem>> -> memref<1x128xi32, #tpu.memory_space<vmem>>
        %dma_start3A_263 = tpu.memref_squeeze %dma_start3A_262 : memref<1x128xi32, #tpu.memory_space<vmem>> -> memref<128xi32, #tpu.memory_space<vmem>>
        %dma_start3A_264 = arith.constant 0 : i32
        %dma_start3A_265 = arith.constant 0 : i32
        %dma_start3A_266 = tpu.memref_slice %arg2[%dma_start3A_264, %dma_start3A_265] : memref<100000x128xf32, #tpu.memory_space<hbm>> -> memref<100000x128xf32, #tpu.memory_space<hbm>>
        tpu.enqueue_indirect_dma source(%dma_start3A_266 : memref<100000x128xf32, #tpu.memory_space<hbm>>) target(%arg10 : memref<128x128xf32, #tpu.memory_space<vmem>>) offsets(%dma_start3A_263 : memref<128xi32, #tpu.memory_space<vmem>>) semaphore(%arg15 : memref<!tpu.dma_semaphore, #tpu.memory_space<semaphore_mem>>)
      } else {
      }
      %mul3A_247 = arith.constant 128 : i32
      %mul3A_248 = arith.muli %add3A_222, %mul3A_247 : i32
      %rem3A_249 = arith.constant 200 : i32
      %rem3A_250 = arith.remsi %mul3A_248, %rem3A_249 : i32
      %parallel_loop3A_251 = arith.constant 0 : i32
      %parallel_loop3A_252 = arith.constant 128 : i32
      %parallel_loop3A_253 = arith.constant 1 : i32
      scf.for %parallel_loop3A_261 = %parallel_loop3A_251 to %parallel_loop3A_252 step %parallel_loop3A_253  : i32 {
        %parallel_loop3A_262 = arith.addi %rem3A_250, %parallel_loop3A_261 : i32
        %parallel_loop3A_263 = arith.constant 200 : i32
        %parallel_loop3A_264 = arith.cmpi sge, %parallel_loop3A_262, %parallel_loop3A_263 : i32
        %parallel_loop3A_265 = arith.constant 200 : i32
        %parallel_loop3A_266 = arith.subi %parallel_loop3A_262, %parallel_loop3A_265 : i32
        %parallel_loop3A_267 = arith.select %parallel_loop3A_264, %parallel_loop3A_266, %parallel_loop3A_262 : i32
        %parallel_loop3A_268 = arith.index_cast %parallel_loop3A_267 : i32 to index
        %parallel_loop3A_269 = arith.constant 0 : index
        %parallel_loop3A_270 = tpu.vector_load %arg6[%parallel_loop3A_268, %parallel_loop3A_269] {strides = array<i32>} : memref<200x128xf32, #tpu.memory_space<vmem>>, vector<1x16xf32>,
        %parallel_loop3A_271 = vector.shape_cast %parallel_loop3A_270 : vector<1x16xf32> to vector<16xf32>
        %parallel_loop3A_272 = arith.index_cast %parallel_loop3A_261 : i32 to index
        %parallel_loop3A_273 = arith.constant 0 : index
        %parallel_loop3A_274 = tpu.vector_load %arg12[%parallel_loop3A_272, %parallel_loop3A_273] {strides = array<i32>} : memref<128x128xf32, #tpu.memory_space<vmem>>, vector<1x16xf32>,
        %parallel_loop3A_275 = vector.shape_cast %parallel_loop3A_274 : vector<1x16xf32> to vector<16xf32>
        %parallel_loop3A_276 = vector.shape_cast %parallel_loop3A_271 : vector<16xf32> to vector<1x16xf32>
        tpu.vector_store %arg12[%parallel_loop3A_272, %parallel_loop3A_273], %parallel_loop3A_276 {add = true, strides = array<i32>} : memref<128x128xf32, #tpu.memory_space<vmem>>, vector<1x16xf32>,
        %parallel_loop3A_277 = arith.index_cast %parallel_loop3A_267 : i32 to index
        %parallel_loop3A_278 = arith.constant 16 : index
        %parallel_loop3A_279 = tpu.vector_load %arg6[%parallel_loop3A_277, %parallel_loop3A_278] {strides = array<i32>} : memref<200x128xf32, #tpu.memory_space<vmem>>, vector<1x16xf32>,
        %parallel_loop3A_280 = vector.shape_cast %parallel_loop3A_279 : vector<1x16xf32> to vector<16xf32>
        %parallel_loop3A_281 = arith.index_cast %parallel_loop3A_261 : i32 to index
        %parallel_loop3A_282 = arith.constant 16 : index
        %parallel_loop3A_283 = tpu.vector_load %arg12[%parallel_loop3A_281, %parallel_loop3A_282] {strides = array<i32>} : memref<128x128xf32, #tpu.memory_space<vmem>>, vector<1x16xf32>,
        %parallel_loop3A_284 = vector.shape_cast %parallel_loop3A_283 : vector<1x16xf32> to vector<16xf32>
        %parallel_loop3A_285 = vector.shape_cast %parallel_loop3A_280 : vector<16xf32> to vector<1x16xf32>
        tpu.vector_store %arg12[%parallel_loop3A_281, %parallel_loop3A_282], %parallel_loop3A_285 {add = true, strides = array<i32>} : memref<128x128xf32, #tpu.memory_space<vmem>>, vector<1x16xf32>,
        %parallel_loop3A_286 = arith.index_cast %parallel_loop3A_267 : i32 to index
        %parallel_loop3A_287 = arith.constant 32 : index
        %parallel_loop3A_288 = tpu.vector_load %arg6[%parallel_loop3A_286, %parallel_loop3A_287] {strides = array<i32>} : memref<200x128xf32, #tpu.memory_space<vmem>>, vector<1x16xf32>,
        %parallel_loop3A_289 = vector.shape_cast %parallel_loop3A_288 : vector<1x16xf32> to vector<16xf32>
        %parallel_loop3A_290 = arith.index_cast %parallel_loop3A_261 : i32 to index
        %parallel_loop3A_291 = arith.constant 32 : index
        %parallel_loop3A_292 = tpu.vector_load %arg12[%parallel_loop3A_290, %parallel_loop3A_291] {strides = array<i32>} : memref<128x128xf32, #tpu.memory_space<vmem>>, vector<1x16xf32>,
        %parallel_loop3A_293 = vector.shape_cast %parallel_loop3A_292 : vector<1x16xf32> to vector<16xf32>
        %parallel_loop3A_294 = vector.shape_cast %parallel_loop3A_289 : vector<16xf32> to vector<1x16xf32>
        tpu.vector_store %arg12[%parallel_loop3A_290, %parallel_loop3A_291], %parallel_loop3A_294 {add = true, strides = array<i32>} : memref<128x128xf32, #tpu.memory_space<vmem>>, vector<1x16xf32>,
        %parallel_loop3A_295 = arith.index_cast %parallel_loop3A_267 : i32 to index
        %parallel_loop3A_296 = arith.constant 48 : index
        %parallel_loop3A_297 = tpu.vector_load %arg6[%parallel_loop3A_295, %parallel_loop3A_296] {strides = array<i32>} : memref<200x128xf32, #tpu.memory_space<vmem>>, vector<1x16xf32>,
        %parallel_loop3A_298 = vector.shape_cast %parallel_loop3A_297 : vector<1x16xf32> to vector<16xf32>
        %parallel_loop3A_299 = arith.index_cast %parallel_loop3A_261 : i32 to index
        %parallel_loop3A_300 = arith.constant 48 : index
        %parallel_loop3A_301 = tpu.vector_load %arg12[%parallel_loop3A_299, %parallel_loop3A_300] {strides = array<i32>} : memref<128x128xf32, #tpu.memory_space<vmem>>, vector<1x16xf32>,
        %parallel_loop3A_302 = vector.shape_cast %parallel_loop3A_301 : vector<1x16xf32> to vector<16xf32>
        %parallel_loop3A_303 = vector.shape_cast %parallel_loop3A_298 : vector<16xf32> to vector<1x16xf32>
        tpu.vector_store %arg12[%parallel_loop3A_299, %parallel_loop3A_300], %parallel_loop3A_303 {add = true, strides = array<i32>} : memref<128x128xf32, #tpu.memory_space<vmem>>, vector<1x16xf32>,
        %parallel_loop3A_304 = arith.index_cast %parallel_loop3A_267 : i32 to index
        %parallel_loop3A_305 = arith.constant 64 : index
        %parallel_loop3A_306 = tpu.vector_load %arg6[%parallel_loop3A_304, %parallel_loop3A_305] {strides = array<i32>} : memref<200x128xf32, #tpu.memory_space<vmem>>, vector<1x16xf32>,
        %parallel_loop3A_307 = vector.shape_cast %parallel_loop3A_306 : vector<1x16xf32> to vector<16xf32>
        %parallel_loop3A_308 = arith.index_cast %parallel_loop3A_261 : i32 to index
        %parallel_loop3A_309 = arith.constant 64 : index
        %parallel_loop3A_310 = tpu.vector_load %arg12[%parallel_loop3A_308, %parallel_loop3A_309] {strides = array<i32>} : memref<128x128xf32, #tpu.memory_space<vmem>>, vector<1x16xf32>,
        %parallel_loop3A_311 = vector.shape_cast %parallel_loop3A_310 : vector<1x16xf32> to vector<16xf32>
        %parallel_loop3A_312 = vector.shape_cast %parallel_loop3A_307 : vector<16xf32> to vector<1x16xf32>
        tpu.vector_store %arg12[%parallel_loop3A_308, %parallel_loop3A_309], %parallel_loop3A_312 {add = true, strides = array<i32>} : memref<128x128xf32, #tpu.memory_space<vmem>>, vector<1x16xf32>,
        %parallel_loop3A_313 = arith.index_cast %parallel_loop3A_267 : i32 to index
        %parallel_loop3A_314 = arith.constant 80 : index
        %parallel_loop3A_315 = tpu.vector_load %arg6[%parallel_loop3A_313, %parallel_loop3A_314] {strides = array<i32>} : memref<200x128xf32, #tpu.memory_space<vmem>>, vector<1x16xf32>,
        %parallel_loop3A_316 = vector.shape_cast %parallel_loop3A_315 : vector<1x16xf32> to vector<16xf32>
        %parallel_loop3A_317 = arith.index_cast %parallel_loop3A_261 : i32 to index
        %parallel_loop3A_318 = arith.constant 80 : index
        %parallel_loop3A_319 = tpu.vector_load %arg12[%parallel_loop3A_317, %parallel_loop3A_318] {strides = array<i32>} : memref<128x128xf32, #tpu.memory_space<vmem>>, vector<1x16xf32>,
        %parallel_loop3A_320 = vector.shape_cast %parallel_loop3A_319 : vector<1x16xf32> to vector<16xf32>
        %parallel_loop3A_321 = vector.shape_cast %parallel_loop3A_316 : vector<16xf32> to vector<1x16xf32>
        tpu.vector_store %arg12[%parallel_loop3A_317, %parallel_loop3A_318], %parallel_loop3A_321 {add = true, strides = array<i32>} : memref<128x128xf32, #tpu.memory_space<vmem>>, vector<1x16xf32>,
        %parallel_loop3A_322 = arith.index_cast %parallel_loop3A_267 : i32 to index
        %parallel_loop3A_323 = arith.constant 96 : index
        %parallel_loop3A_324 = tpu.vector_load %arg6[%parallel_loop3A_322, %parallel_loop3A_323] {strides = array<i32>} : memref<200x128xf32, #tpu.memory_space<vmem>>, vector<1x16xf32>,
        %parallel_loop3A_325 = vector.shape_cast %parallel_loop3A_324 : vector<1x16xf32> to vector<16xf32>
        %parallel_loop3A_326 = arith.index_cast %parallel_loop3A_261 : i32 to index
        %parallel_loop3A_327 = arith.constant 96 : index
        %parallel_loop3A_328 = tpu.vector_load %arg12[%parallel_loop3A_326, %parallel_loop3A_327] {strides = array<i32>} : memref<128x128xf32, #tpu.memory_space<vmem>>, vector<1x16xf32>,
        %parallel_loop3A_329 = vector.shape_cast %parallel_loop3A_328 : vector<1x16xf32> to vector<16xf32>
        %parallel_loop3A_330 = vector.shape_cast %parallel_loop3A_325 : vector<16xf32> to vector<1x16xf32>
        tpu.vector_store %arg12[%parallel_loop3A_326, %parallel_loop3A_327], %parallel_loop3A_330 {add = true, strides = array<i32>} : memref<128x128xf32, #tpu.memory_space<vmem>>, vector<1x16xf32>,
        %parallel_loop3A_331 = arith.index_cast %parallel_loop3A_267 : i32 to index
        %parallel_loop3A_332 = arith.constant 112 : index
        %parallel_loop3A_333 = tpu.vector_load %arg6[%parallel_loop3A_331, %parallel_loop3A_332] {strides = array<i32>} : memref<200x128xf32, #tpu.memory_space<vmem>>, vector<1x16xf32>,
        %parallel_loop3A_334 = vector.shape_cast %parallel_loop3A_333 : vector<1x16xf32> to vector<16xf32>
        %parallel_loop3A_335 = arith.index_cast %parallel_loop3A_261 : i32 to index
        %parallel_loop3A_336 = arith.constant 112 : index
        %parallel_loop3A_337 = tpu.vector_load %arg12[%parallel_loop3A_335, %parallel_loop3A_336] {strides = array<i32>} : memref<128x128xf32, #tpu.memory_space<vmem>>, vector<1x16xf32>,
        %parallel_loop3A_338 = vector.shape_cast %parallel_loop3A_337 : vector<1x16xf32> to vector<16xf32>
        %parallel_loop3A_339 = vector.shape_cast %parallel_loop3A_334 : vector<16xf32> to vector<1x16xf32>
        tpu.vector_store %arg12[%parallel_loop3A_335, %parallel_loop3A_336], %parallel_loop3A_339 {add = true, strides = array<i32>} : memref<128x128xf32, #tpu.memory_space<vmem>>, vector<1x16xf32>,
      } {sc.loop_unroll_factor = 4 : i64, sc.parallel_access}
      %mul3A_254 = arith.constant 128 : i32
      %mul3A_255 = arith.muli %add3A_222, %mul3A_254 : i32
      %add3A_256 = arith.addi %mul3A_2, %mul3A_255 : i32
      %dma_start3A_257 = arith.constant 0 : i32
      %dma_start3A_258 = tpu.memref_slice %arg5[%add3A_256, %dma_start3A_257] : memref<204800x128xf32, #tpu.memory_space<hbm>> -> memref<128x128xf32, #tpu.memory_space<hbm>>
      %dma_start3A_259 = arith.constant 0 : i32
      %dma_start3A_260 = tpu.memref_slice %arg5[%add3A_256, %dma_start3A_259] : memref<204800x128xf32, #tpu.memory_space<hbm>> -> memref<128x128xf32, #tpu.memory_space<hbm>>
      tpu.enqueue_dma source(%arg12 : memref<128x128xf32, #tpu.memory_space<vmem>>) target(%dma_start3A_260 : memref<128x128xf32, #tpu.memory_space<hbm>>) target_semaphore(%arg22 : memref<!tpu.dma_semaphore, #tpu.memory_space<semaphore_mem>>)
    }
    %scan3A_27 = arith.constant 10 : i32
    %add3A_28 = arith.constant 5760 : i32
    %add3A_29 = arith.addi %mul3A_2, %add3A_28 : i32
    %dma_wait3A = arith.constant 0 : i32
    %dma_wait3A_30 = tpu.memref_slice %arg5[%add3A_29, %dma_wait3A] : memref<204800x128xf32, #tpu.memory_space<hbm>> -> memref<128x128xf32, #tpu.memory_space<hbm>>
    %dma_wait3A_31 = arith.constant 0 : i32
    %dma_wait3A_32 = tpu.memref_slice %arg5[%add3A_29, %dma_wait3A_31] : memref<204800x128xf32, #tpu.memory_space<hbm>> -> memref<128x128xf32, #tpu.memory_space<hbm>>
    tpu.wait_dma2 semaphore(%arg18 : memref<!tpu.dma_semaphore, #tpu.memory_space<semaphore_mem>>) src(%arg8 : memref<128x128xf32, #tpu.memory_space<vmem>>) dst(%dma_wait3A_32 : memref<128x128xf32, #tpu.memory_space<hbm>>)
    %add3A_33 = arith.constant 5888 : i32
    %add3A_34 = arith.addi %mul3A_2, %add3A_33 : i32
    %dma_wait3A_35 = arith.constant 0 : i32
    %dma_wait3A_36 = tpu.memref_slice %arg5[%add3A_34, %dma_wait3A_35] : memref<204800x128xf32, #tpu.memory_space<hbm>> -> memref<128x128xf32, #tpu.memory_space<hbm>>
    %dma_wait3A_37 = arith.constant 0 : i32
    %dma_wait3A_38 = tpu.memref_slice %arg5[%add3A_34, %dma_wait3A_37] : memref<204800x128xf32, #tpu.memory_space<hbm>> -> memref<128x128xf32, #tpu.memory_space<hbm>>
    tpu.wait_dma2 semaphore(%arg19 : memref<!tpu.dma_semaphore, #tpu.memory_space<semaphore_mem>>) src(%arg9 : memref<128x128xf32, #tpu.memory_space<vmem>>) dst(%dma_wait3A_38 : memref<128x128xf32, #tpu.memory_space<hbm>>)
    %add3A_39 = arith.constant 6016 : i32
    %add3A_40 = arith.addi %mul3A_2, %add3A_39 : i32
    %dma_wait3A_41 = arith.constant 0 : i32
    %dma_wait3A_42 = tpu.memref_slice %arg5[%add3A_40, %dma_wait3A_41] : memref<204800x128xf32, #tpu.memory_space<hbm>> -> memref<128x128xf32, #tpu.memory_space<hbm>>
    %dma_wait3A_43 = arith.constant 0 : i32
    %dma_wait3A_44 = tpu.memref_slice %arg5[%add3A_40, %dma_wait3A_43] : memref<204800x128xf32, #tpu.memory_space<hbm>> -> memref<128x128xf32, #tpu.memory_space<hbm>>
    tpu.wait_dma2 semaphore(%arg20 : memref<!tpu.dma_semaphore, #tpu.memory_space<semaphore_mem>>) src(%arg10 : memref<128x128xf32, #tpu.memory_space<vmem>>) dst(%dma_wait3A_44 : memref<128x128xf32, #tpu.memory_space<hbm>>)
    %add3A_45 = arith.constant 6144 : i32
    %add3A_46 = arith.addi %mul3A_2, %add3A_45 : i32
    %dma_wait3A_47 = arith.constant 0 : i32
    %dma_wait3A_48 = tpu.memref_slice %arg5[%add3A_46, %dma_wait3A_47] : memref<204800x128xf32, #tpu.memory_space<hbm>> -> memref<128x128xf32, #tpu.memory_space<hbm>>
    %dma_wait3A_49 = arith.constant 0 : i32
    %dma_wait3A_50 = tpu.memref_slice %arg5[%add3A_46, %dma_wait3A_49] : memref<204800x128xf32, #tpu.memory_space<hbm>> -> memref<128x128xf32, #tpu.memory_space<hbm>>
    tpu.wait_dma2 semaphore(%arg21 : memref<!tpu.dma_semaphore, #tpu.memory_space<semaphore_mem>>) src(%arg11 : memref<128x128xf32, #tpu.memory_space<vmem>>) dst(%dma_wait3A_50 : memref<128x128xf32, #tpu.memory_space<hbm>>)
    %add3A_51 = arith.constant 6272 : i32
    %add3A_52 = arith.addi %mul3A_2, %add3A_51 : i32
    %dma_wait3A_53 = arith.constant 0 : i32
    %dma_wait3A_54 = tpu.memref_slice %arg5[%add3A_52, %dma_wait3A_53] : memref<204800x128xf32, #tpu.memory_space<hbm>> -> memref<128x128xf32, #tpu.memory_space<hbm>>
    %dma_wait3A_55 = arith.constant 0 : i32
    %dma_wait3A_56 = tpu.memref_slice %arg5[%add3A_52, %dma_wait3A_55] : memref<204800x128xf32, #tpu.memory_space<hbm>> -> memref<128x128xf32, #tpu.memory_space<hbm>>
    tpu.wait_dma2 semaphore(%arg22 : memref<!tpu.dma_semaphore, #tpu.memory_space<semaphore_mem>>) src(%arg12 : memref<128x128xf32, #tpu.memory_space<vmem>>) dst(%dma_wait3A_56 : memref<128x128xf32, #tpu.memory_space<hbm>>)
    return
  }
}

</mosaic_0001>

<sc_bundles>
// kernel: kernel.3.cloned.1.call-start
scs
__scs_entry_jumppad:
0x0: {  	(pc) =	sbr.rel $0x88, $3  }
0x1: {  	(tag) =	ssettag $0x0;
	lr =	simm.s32 $0x1  }
0x2: {  	[smem:$0x3F9E] =	sst lr;
	_ =	strace $0xD0000000  }
0x3: {  	_ = 	snop  }
0x4: {  	_ = 	snop  }
0x5: {  	_ = 	snop  }
0x6: {  	_ = 	snop  }
0x7: {  	_ = 	snop  }
__scs_overlays_trampoline_lowered:
0x8: {  	[smem:$0x3FAD] =	sst s0  }
0x9: {  	[smem:$0x3FAE] =	sst s1  }
0xa: {  	[smem:$0x3FAF] =	sst s2  }
0xb: {  	[smem:$0x3FB0] =	sst s3  }
0xc: {  	[smem:$0x3FB1] =	sst s4  }
0xd: {  	[smem:$0x3FB2] =	sst s5  }
0xe: {  	[smem:$0x3FB3] =	sst s6  }
0xf: {  	[smem:$0x3FB4] =	sst s7  }
0x10: {  	[smem:$0x3FB5] =	sst s8  }
0x11: {  	[smem:$0x3FB6] =	sst s9;
	s0 =	simm.s32 @!p0 $0x0  }
0x12: {  	s1 =	sld [smem:$0x3F9C];
	s0 =	simm.s32 @p0 $0x1  }
0x13: {  	[smem:$0x3FB7] =	sst s0;
	s0 =	simm.s32 @!p1 $0x0  }
0x14: {  	s2 =	sld [smem:$0x3F9B];
	s0 =	simm.s32 @p1 $0x1  }
0x15: {  	[smem:$0x3FB8] =	sst s0;
	s0 =	simm.s32 @!p2 $0x0  }
0x16: {  	s3 =	sld [smem:$0x3FDB];
	s0 =	simm.s32 @p2 $0x1  }
0x17: {  	s4 =	simm.s32 $0x1BF5;
	[smem:$0x3FBA] =	sst s0  }
0x18: {  	s0 =	sld [smem:$0x3F9D];
	_ =	swait.ge [sflag:s4], $0x0  }
0x19: {  	s7 =	sld [smem:$0x3F9E]  }
0x1a: {  	s8 =	sadd.s32 $0xFFFFE003, lr  }
0x1b: {  	s9 =	sadd.s32 $0xFFFFFEF7, lr;
	s5 =	simm.s32 $0xFFFFFFFF;
	p2 =	slt.u32 s8, $0xFFFFF086  }
0x1c: {  	p1 =	slt.u32 s9, $0xF7A;
	s5 =	simm.s32 @!p2 $0x0  }
0x1d: {  	s5 =	simm.s32 @p1 $0x1;
	p0 =	seq.s32 s7, s2  }
0x1e: {  	s7 =	smul.u32 @!p0 $0xF7A, s2;
	p2 =	seq.s32 @!p0 s5, $0x0  }
0x1f: {  	s9 =	smul.u32 $0xF7A, s1;
	s8 =	simm.s32 @!p0 $0x1BF5;
	p2 =	por !p2, p0  }
0x20: {  	[sflag:s8] =	ssyncset.s32 @!p0 $0xFFFFF086;
	s6 =	sadd.s32 @!p0 s3, s7;
	s7 =	simm.s32 @!p0 $0x108  }
0x21: {  	s3 =	sadd.s32 s3, s9;
	s6 =	sadd.s32 @!p0 $0x88, s6;
	s7 =	simm.s32 @p2 $0x1082  }
0x22: {  	[simem:s7], [sflag:s8] =	dma.local @!p0 [hbm:s6], $0xF7A  }
0x23: {  	s9 =	sor.u32 $0xD0000000, s2;
	s6 =	simm.s32 $0x108;
	_ =	swait.ge @!p0 [sflag:s8], $0x0  }
0x24: {  	s3 =	sadd.s32 $0x88, s3;
	s6 =	simm.s32 @!p1 $0x1082;
	[sflag:s4] =	ssyncset.s32 $0xFFFFF086  }
0x25: {  	[simem:s6], [sflag:s4] =	dma.local [hbm:s3], $0xF7A  }
0x26: {  	[smem:$0x3F9E] =	sst s1;
	(tag) =	ssettag s2;
	_ =	strace s9  }
0x27: {  	s1 =	sld [smem:$0x3FAE]  }
0x28: {  	s2 =	sld [smem:$0x3FAF]  }
0x29: {  	s4 =	sld [smem:$0x3FB1]  }
0x2a: {  	p0 =	seq.s32 s5, $0x0;
	s5 =	sld [smem:$0x3FB2]  }
0x2b: {  	s6 =	sld [smem:$0x3FB3]  }
0x2c: {  	s7 =	sld [smem:$0x3FB4]  }
0x2d: {  	s3 =	simm.s32 $0x108;
	s8 =	sld [smem:$0x3FB5]  }
0x2e: {  	s3 =	simm.s32 @!p0 $0x1082;
	s9 =	sld [smem:$0x3FB6]  }
0x2f: {  	lr =	sadd.s32 s0, s3;
	s0 =	sld [smem:$0x3FAD]  }
0x30: {  	s3 =	sld [smem:$0x3FB0]  }
0x31: {  	[smem:$0x3FB9] =	sst s10  }
0x32: {  	s10 =	sld [smem:$0x3FB7];
	_ =	sdelay $0x3  }
0x33: {  	p0 =	seq.s32 s10, $0x1;
	s10 =	sld [smem:$0x3FB9];
	_ =	sdelay $0x3  }
0x34: {  	[smem:$0x3FB9] =	sst s10  }
0x35: {  	s10 =	sld [smem:$0x3FB8];
	_ =	sdelay $0x3  }
0x36: {  	p1 =	seq.s32 s10, $0x1;
	s10 =	sld [smem:$0x3FB9];
	_ =	sdelay $0x3  }
0x37: {  	[smem:$0x3FB9] =	sst s10  }
0x38: {  	s10 =	sld [smem:$0x3FBA]  }
0x39: {  	_ = 	snop;
	(pc) =	sbr.ind lr, $3  }
0x3a: {  	_ = 	snop  }
0x3b: {  	_ = 	snop  }
0x3c: {  	p2 =	seq.s32 s10, $0x1;
	s10 =	sld [smem:$0x3FB9]  }
0x3d: {  	_ =	shalt  }
0x3e: {  	_ =	shalt  }
0x3f: {  	_ =	shalt  }
0x40: {  	_ =	shalt  }
0x41: {  	_ =	shalt  }
0x42: {  	_ =	shalt  }
0x43: {  	_ =	shalt  }
0x44: {  	_ =	shalt  }
0x45: {  	_ =	shalt  }
0x46: {  	_ =	shalt  }
0x47: {  	_ =	shalt  }
0x48: {  	_ =	shalt  }
0x49: {  	_ =	shalt  }
0x4a: {  	_ =	shalt  }
0x4b: {  	_ =	shalt  }
0x4c: {  	_ =	shalt  }
0x4d: {  	_ =	shalt  }
0x4e: {  	_ =	shalt  }
0x4f: {  	_ =	shalt  }
0x50: {  	_ =	shalt  }
0x51: {  	_ =	shalt  }
0x52: {  	_ =	shalt  }
0x53: {  	_ =	shalt  }
0x54: {  	_ =	shalt  }
0x55: {  	_ =	shalt  }
0x56: {  	_ =	shalt  }
0x57: {  	_ =	shalt  }
0x58: {  	_ =	shalt  }
0x59: {  	_ =	shalt  }
0x5a: {  	_ =	shalt  }
0x5b: {  	_ =	shalt  }
0x5c: {  	_ =	shalt  }
0x5d: {  	_ =	shalt  }
0x5e: {  	_ =	shalt  }
0x5f: {  	_ =	shalt  }
0x60: {  	_ =	shalt  }
0x61: {  	_ =	shalt  }
0x62: {  	_ =	shalt  }
0x63: {  	_ =	shalt  }
0x64: {  	_ =	shalt  }
0x65: {  	_ =	shalt  }
0x66: {  	_ =	shalt  }
0x67: {  	_ =	shalt  }
0x68: {  	_ =	shalt  }
0x69: {  	_ =	shalt  }
0x6a: {  	_ =	shalt  }
0x6b: {  	_ =	shalt  }
0x6c: {  	_ =	shalt  }
0x6d: {  	_ =	shalt  }
0x6e: {  	_ =	shalt  }
0x6f: {  	_ =	shalt  }
0x70: {  	_ =	shalt  }
0x71: {  	_ =	shalt  }
0x72: {  	_ =	shalt  }
0x73: {  	_ =	shalt  }
0x74: {  	_ =	shalt  }
0x75: {  	_ =	shalt  }
0x76: {  	_ =	shalt  }
0x77: {  	_ =	shalt  }
0x78: {  	_ =	shalt  }
0x79: {  	_ =	shalt  }
0x7a: {  	_ =	shalt  }
0x7b: {  	_ =	shalt  }
0x7c: {  	_ =	shalt  }
0x7d: {  	_ =	shalt  }
0x7e: {  	_ =	shalt  }
0x7f: {  	_ =	shalt  }
0x80: {  	_ =	shalt  }
0x81: {  	_ =	shalt  }
0x82: {  	_ =	shalt  }
0x83: {  	_ =	shalt  }
0x84: {  	_ =	shalt  }
0x85: {  	_ =	shalt  }
0x86: {  	_ =	shalt  }
0x87: {  	_ =	shalt  }
.Lfunc_end0:
.L_simem_size_0:
called_computation_lowered:
.L_overlay_start_0:
0x88: {  	s2 =	sld [smem:$0x3FD9]  }
0x89: {  	s3 =	sld [smem:$0x3FFE];
	_ =	sdelay $0x1  }
0x8a: {  	s1 =	srdreg.scid  }
0x8b: {  	s0 =	sand.u32 $0x1, s1  }
0x8c: {  	s17 =	sshll.u32 s0, $0xA;
	s2 =	sadd.s32 s3, s2  }
0x8d: {  	s2 =	sadd.s32 s2, s17  }
0x8e: {  	[smem:$0x3FC5] =	sst s2  }
0x8f: {  	_ = 	snop  }
0x90: {  	s2 =	sld [smem:$0x3FC8]  }
0x91: {  	s18 =	sld [smem:$0x3FC7]  }
0x92: {  	s4 =	sld [smem:$0x3FD0];
	(tm) =	ssettm $0x1  }
0x93: {  	s5 =	sld [smem:$0x3FFB];
	_ =	sdelay $0x3  }
0x94: {  	_ =	strace s5  }
0x95: {  	s5 =	sld [smem:$0x3FFC];
	_ =	sdelay $0x3  }
0x96: {  	_ =	strace s5  }
0x97: {  	s5 =	sld [smem:$0x3FFD];
	_ =	sdelay $0x3  }
0x98: {  	_ =	strace s5  }
0x99: {  	_ =	strace $0x8FFFFFFF  }
0x9a: {  	s19 =	sld [smem:$0x3FDB];
	_ =	sdelay $0x1  }
0x9b: {  	s6 =	simm.s32 $_scs_section_size  }
0x9c: {  	s7 =	simm.s32 $_size__tile_overlayer_lowered;
	s8 =	simm.s32 $_tile_overlayer_lowered  }
0x9d: {  	s22 =	simm.s32 $0x1BFF;
	s21 =	sshll.u32 s8, $0x1;
	s5 =	sadd.s32 s6, s19  }
0x9e: {  	s9 =	simm.s32 $0x0;
	s20 =	sshll.u32 s7, $0x1;
	s7 =	sadd.s32 s21, s5  }
0x9f: {  	[timem:s9], [sflag:s22] =	dma.local [hbm:s7], s20  }
0xa0: {  	_ =	swait.ge [sflag:s22], s20  }
0xa1: {  	s6 =	ssub.s32 $0x0, s20;
	[sflag:s22] =	ssyncset.done $0x0  }
0xa2: {  	[sflag:s22] =	ssyncadd.s32 s6;
	_ =	sdelay $0x1  }
0xa3: {  	s23 =	simm.s32 $0x1B8B  }
0xa4: {  	_ =	swait.ge [sflag:s23], $0x1  }
0xa5: {  	[sflag:s23] =	ssyncset.done $0x0  }
0xa6: {  	s25 =	simm.s32 $0x1B8E;
	s24 =	sld [smem:$0x3FFE];
	[sflag:s23] =	ssyncadd.s32 $0xFFFFFFFF  }
0xa7: {  	s26 =	simm.s32 $execute0_lowered;
	[smem:$0x3FD2] =	sst s25  }
0xa8: {  	s7 =	sshll.u32 s26, $0x1;
	_ =	strace $0x80000046;
	[dreg:$0x1] =	wrdreg $0xFFFFFFFF  }
0xa9: {  	s28 =	simm.s32 $_size_execute0_lowered;
	s5 =	sadd.s32 s5, s7;
	[dreg:$0x0] =	wrdreg $0x0  }
0xaa: {  	s7 =	sshll.u32 s28, $0x1;
	[dreg:$0x2] =	wrdreg s5  }
0xab: {  	[dreg:$0x3] =	wrdreg s7  }
0xac: {  	[dreg:$0x4] =	wrdreg $0xC0  }
0xad: {  	_ =	task [dreg:s9], $0x5FFFF  }
0xae: {  	[dreg:$0x1] =	wrdreg $0xFFFFFFFF  }
0xaf: {  	[dreg:$0x0] =	wrdreg $0x60  }
0xb0: {  	[dreg:$0x2] =	wrdreg s2  }
0xb1: {  	[dreg:$0x3] =	wrdreg s24  }
0xb2: {  	[dreg:$0x4] =	wrdreg s18  }
0xb3: {  	[dreg:$0x5] =	wrdreg s4  }
0xb4: {  	[dreg:$0x6] =	wrdreg $0x9  }
0xb5: {  	_ =	task.clear_ibuf [dreg:s9], $0x7FFFF;
	_ =	strace $0x90000046  }
0xb6: {  	s29 =	simm.s32 $0x9;
	_ =	strace $0x80000048  }
0xb7: {  	_ =	swait.ge [sflag:s29], $0x1  }
0xb8: {  	[sflag:s29] =	ssyncadd.s32 $0xFFFFFFFF  }
0xb9: {  	_ =	strace $0x90000048  }
0xba: {  	_ =	sfence  }
0xbb: {  	s30 =	sld [smem:$0x0];
	_ =	sdelay $0x2  }
0xbc: {  	s31 =	sshll.u32 s1, $0xD;
	s1 =	sshrl.u32 s1, $0x2  }
0xbd: {  	s3 =	sand.u32 $0x4000, s31;
	s1 =	sadd.s32 s1, s30  }
0xbe: {  	s0 =	sor.u32 s3, s0;
	s1 =	sshll.u32 s1, $0x11  }
0xbf: {  	s0 =	sor.u32 s1, s0  }
0xc0: {  	s0 =	sadd.s32 $0x8F2B, s0  }
0xc1: {  	[sflag:s0] =	ssyncadd.remote.s32 $0x1  }
0xc2: {  	_ =	sfence.sel $0xFFFF  }
0xc3: {  	[dreg:$0x0] =	wrdreg $0xFFFFFFFF;
	(pc) =	sbr.abs _section_cstart, $3  }
0xc4: {  	[dreg:$0x1] =	wrdreg $0xFFFFFFFF  }
0xc5: {  	_ =	task.clear_ibuf [dreg:s9], $0x2FFFF;
	_ =	strace $0x9FFFFFFF  }
0xc6: {  	(tm) =	ssettm $0x7FFFFFFF  }
0xc7: {  	_ =	shalt  }
tec
execute0_lowered:
.L_overlay_start_1:
0x0: {  	(tag) =	ssettag $0x1  }
0x1: {  	s1 =	srdreg.scid;
	s2 =	stileid.u32  }
0x2: {  	s29 =	rddreg [dreg:$0x0];
	s1 =	sand.u32 $0x1, s1;
	s2 =	sshll.u32 s2, $0x1  }
0x3: {  	s0 =	rddreg [dreg:$0x1];
	s2 =	sor.u32 s1, s2  }
0x4: {  	s4 =	simm.s32 $0x0;
	s1 =	ssub.s32 $0x2, s1;
	s3 =	smul.u32 $0x380, s2  }
0x5: {  	[smem:$0x7FF] =	sst s4;
	s28 =	sshrl.u32 s1, $0x1;
	s2 =	smul.u32 $0x1900, s2  }
0x6: {  	s30 =	rddreg [dreg:$0x3];
	_ =	strace $0x80000047;
	s1 =	ssub.s32 s1, s28  }
0x7: {  	s0 =	sadd.s32 s3, s0;
	[dreg:$0x5] =	wrdreg s2;
	s31 =	smax.u32 s1, $0x1  }
0x8: {  	s19 =	simm.s32 $0x14000;
	s0 =	sadd.s32 $0x400, s0;
	[dreg:$0x7] =	wrdreg s31  }
0x9: {  	s3 =	simm.s32 $0x0;
	s2 =	simm.s32 $0x0;
	[dreg:$0x6] =	wrdreg s0  }
.LBB2_1:
0xa: {  	[dreg:$0x8] =	wrdreg s2  }
0xb: {  	s0 =	rddreg [dreg:$0x6];
	s1 =	simm.s32 $0x6400;
	s21 =	simm.s32 $0xB  }
0xc: {  	[tilespmem:s1], [sflag:$0xB] =	stream.linear.gather [hbm4b:s0+s3], $0x1900, $0x38;
	[tilespmem:$0x1C000] =	vst v63  }
0xd: {  	_ =	swait.ge [sflag:s21], $0x1900  }
0xe: {  	s22 =	simm.s32 $0x8000;
	[sflag:s21] =	ssyncset.done $0x0  }
0xf: {  	s4 =	simm.s32 $0x80;
	s23 =	simm.s32 $0x6480;
	[sflag:s21] =	ssyncadd.s32 $0xFFFFE700  }
0x10: {  	[tilespmem:s22], [sflag:$0x1] =	stream.indirect.gather [hbm4b:s29+s4], $0x80, s1, s4, $0xb8;
	[tilespmem:$0x1C000] =	vst v63  }
0x11: {  	s24 =	simm.s32 $0xC000;
	s25 =	simm.s32 $0x6500;
	s26 =	simm.s32 $0x10000  }
0x12: {  	[tilespmem:s24], [sflag:$0x2] =	stream.indirect.gather [hbm4b:s29+s4], $0x80, s23, s4, $0xb8;
	[tilespmem:$0x1C000] =	vst v63  }
0x13: {  	s31 =	simm.s32 $0x4180;
	s6 =	simm.s32 $0x100;
	s15 =	simm.s32 $0x180  }
0x14: {  	[tilespmem:s26], [sflag:$0x3] =	stream.indirect.gather [hbm4b:s29+s4], $0x80, s25, s4, $0xb8;
	[tilespmem:$0x1C000] =	vst v63  }
0x15: {  	s12 =	simm.s32 $0xC180;
	s14 =	simm.s32 $0x200;
	s28 =	rddreg [dreg:$0x2]  }
0x16: {  	[tilespmem:s3], [sflag:$0xB] =	stream.linear.gather [hbm4b:s28+s3], $0x6400, $0x38;
	[tilespmem:$0x1C000] =	vst v63  }
0x17: {  	s9 =	simm.s32 $0x10180;
	s7 =	simm.s32 $0x80;
	_ =	swait.ge [sflag:s21], $0x6400  }
0x18: {  	s8 =	simm.s32 $0x0;
	s0 =	simm.s32 $0x8180;
	[sflag:s21] =	ssyncset.done $0x0  }
0x19: {  	s24 =	simm.s32 $0x0;
	s25 =	simm.s32 $0x0;
	[sflag:s21] =	ssyncadd.s32 $0xFFFF9C00  }
.LBB2_2:
0x1a: {  	s3 =	smov.u32 s30;
	s1 =	smulhi.u32 $0x51EB851F, s8;
	s2 =	simm.s32 $0x1  }
0x1b: {  	s30 =	smul.u32 $0x5, s25;
	p0 =	seq.s32 s25, $0x0;
	_ =	swait.ge [sflag:s2], $0x4000  }
0x1c: {  	s4 =	simm.s32 @!p0 $0x9;
	[sflag:s2] =	ssyncset.done $0x0  }
0x1d: {  	s1 =	sshrl.u32 s1, $0x6;
	s5 =	sadd.s32 $0x3, s30;
	[sflag:s2] =	ssyncadd.s32 $0xFFFFC000  }
0x1e: {  	[dreg:$0xb] =	wrdreg s5;
	s5 =	sshll.u32 @!p0 s5, $0x7;
	s10 =	smul.u32 $0xC8, s1  }
0x1f: {  	s13 =	simm.s32 $0x80;
	_ =	swait.ge @!p0 [sflag:s4], $0x4000;
	s5 =	sand.u32 @!p0 $0x3FFFFF80, s5  }
0x20: {  	[sflag:s4] =	ssyncset.done @!p0 $0x0;
	s5 =	sadd.s32 @!p0 $0x6400, s5;
	s16 =	ssub.s32 s8, s10  }
0x21: {  	[sflag:s4] =	ssyncadd.s32 @!p0 $0xFFFFC000;
	s5 =	simm.s32 @p0 $0x6580;
	s17 =	sadd.s32 $0xFFFFFFFC, s16  }
0x22: {  	[tilespmem:s19], [sflag:$0x4] =	stream.indirect.gather [hbm4b:s29+s13], $0x80, s5, s13, $0xb8;
	[tilespmem:$0x1C000] =	vst v63  }
0x23: {  	s11 =	simm.s32 $0xFFFF9C80;
	s1 =	smul.u32 $0x6400, s1;
	s18 =	sadd.s32 $0x7, s17  }
0x24: {  	s19 =	sadd.s32 $0x5, s17;
	s5 =	simm.s32 $0xFFFF9D80;
	p1 =	sgt.u32 s18, $0xC7  }
0x25: {  	s1 =	ssub.s32 s24, s1;
	p2 =	sgt.u32 s19, $0xC7;
	s5 =	simm.s32 @!p1 $0x180  }
0x26: {  	s20 =	sadd.s32 $0x6, s17;
	s11 =	simm.s32 @!p2 $0x80;
	s13 =	sadd.s32 s5, s1  }
0x27: {  	p1 =	sgt.u32 s20, $0xC7;
	s5 =	simm.s32 $0xFFFF9D00;
	s21 =	sadd.s32 s11, s1;
	v0 =	vld [tilespmem:s13+$0x0]  }
0x28: {  	s4 =	sadd.s32 $0x4, s17;
	s11 =	sadd.s32 $0xFFFF9C00, s1;
	s5 =	simm.s32 @!p1 $0x100;
	v1 =	vld [tilespmem:s21+$0x0]  }
0x29: {  	p1 =	sgt.u32 s4, $0xC7;
	s4 =	smov.u32 s1;
	s5 =	sadd.s32 s5, s1  }
0x2a: {  	s4 =	smov.u32 @p1 s11;
	v2 =	vld [tilespmem:s5+$0x0]  }
0x2b: {  	s19 =	simm.s32 $0x81F0;
	v3 =	vld [tilespmem:s4+$0x0]  }
0x2c: {  	[tilespmem:s19+$0xFFFFFF90] =	vst.add.f32.msk $0xffff, v0  }
0x2d: {  	[tilespmem:s19+$0xFFFFFE90] =	vst.add.f32.msk $0xffff, v1  }
0x2e: {  	v0 =	vld [tilespmem:s13+$0x10]  }
0x2f: {  	v1 =	vld [tilespmem:s21+$0x10]  }
0x30: {  	[tilespmem:s19+$0xFFFFFF10] =	vst.add.f32.msk $0xffff, v2  }
0x31: {  	[tilespmem:s19+$0xFFFFFE10] =	vst.add.f32.msk $0xffff, v3  }
0x32: {  	v2 =	vld [tilespmem:s5+$0x10]  }
0x33: {  	v3 =	vld [tilespmem:s4+$0x10]  }
0x34: {  	[tilespmem:s19+$0xFFFFFFA0] =	vst.add.f32.msk $0xffff, v0  }
0x35: {  	[tilespmem:s19+$0xFFFFFEA0] =	vst.add.f32.msk $0xffff, v1  }
0x36: {  	v0 =	vld [tilespmem:s13+$0x20]  }
0x37: {  	v1 =	vld [tilespmem:s21+$0x20]  }
0x38: {  	[tilespmem:s19+$0xFFFFFF20] =	vst.add.f32.msk $0xffff, v2  }
0x39: {  	[tilespmem:s19+$0xFFFFFE20] =	vst.add.f32.msk $0xffff, v3  }
0x3a: {  	v2 =	vld [tilespmem:s5+$0x20]  }
0x3b: {  	v3 =	vld [tilespmem:s4+$0x20]  }
0x3c: {  	[tilespmem:s19+$0xFFFFFFB0] =	vst.add.f32.msk $0xffff, v0  }
0x3d: {  	[tilespmem:s19+$0xFFFFFEB0] =	vst.add.f32.msk $0xffff, v1  }
0x3e: {  	v0 =	vld [tilespmem:s13+$0x30]  }
0x3f: {  	v1 =	vld [tilespmem:s21+$0x30]  }
0x40: {  	[tilespmem:s19+$0xFFFFFF30] =	vst.add.f32.msk $0xffff, v2  }
0x41: {  	[tilespmem:s19+$0xFFFFFE30] =	vst.add.f32.msk $0xffff, v3  }
0x42: {  	v2 =	vld [tilespmem:s5+$0x30]  }
0x43: {  	v3 =	vld [tilespmem:s4+$0x30]  }
0x44: {  	[tilespmem:s19+$0xFFFFFFC0] =	vst.add.f32.msk $0xffff, v0  }
0x45: {  	[tilespmem:s19+$0xFFFFFEC0] =	vst.add.f32.msk $0xffff, v1  }
0x46: {  	v0 =	vld [tilespmem:s13+$0x40]  }
0x47: {  	v1 =	vld [tilespmem:s21+$0x40]  }
0x48: {  	[tilespmem:s19+$0xFFFFFF40] =	vst.add.f32.msk $0xffff, v2  }
0x49: {  	[tilespmem:s19+$0xFFFFFE40] =	vst.add.f32.msk $0xffff, v3  }
0x4a: {  	v2 =	vld [tilespmem:s5+$0x40]  }
0x4b: {  	v3 =	vld [tilespmem:s4+$0x40]  }
0x4c: {  	[tilespmem:s19+$0xFFFFFFD0] =	vst.add.f32.msk $0xffff, v0  }
0x4d: {  	[tilespmem:s19+$0xFFFFFED0] =	vst.add.f32.msk $0xffff, v1  }
0x4e: {  	v0 =	vld [tilespmem:s13+$0x50]  }
0x4f: {  	[tilespmem:s19+$0xFFFFFF50] =	vst.add.f32.msk $0xffff, v2  }
0x50: {  	[tilespmem:s19+$0xFFFFFE50] =	vst.add.f32.msk $0xffff, v3  }
0x51: {  	v1 =	vld [tilespmem:s5+$0x50]  }
0x52: {  	v2 =	vld [tilespmem:s4+$0x50];
	_ =	sdelay $0x1  }
0x53: {  	[tilespmem:s19+$0xFFFFFFE0] =	vst.add.f32.msk $0xffff, v0  }
0x54: {  	v0 =	vld [tilespmem:s13+$0x60]  }
0x55: {  	[tilespmem:s19+$0xFFFFFF60] =	vst.add.f32.msk $0xffff, v1  }
0x56: {  	[tilespmem:s19+$0xFFFFFE60] =	vst.add.f32.msk $0xffff, v2  }
0x57: {  	v2 =	vld [tilespmem:s4+$0x60]  }
0x58: {  	s22 =	sadd.s32 $0x0, s16;
	v1 =	vld [tilespmem:s5+$0x60]  }
0x59: {  	s23 =	sadd.s32 $0x7, s22;
	[tilespmem:s19+$0xFFFFFFF0] =	vst.add.f32.msk $0xffff, v0  }
0x5a: {  	p1 =	sgt.u32 s23, $0xC7;
	s11 =	simm.s32 $0xFFFF9D80;
	v0 =	vld [tilespmem:s21+$0x50]  }
0x5b: {  	s23 =	sadd.s32 $0x200, s1;
	s11 =	simm.s32 @!p1 $0x180;
	v3 =	vld [tilespmem:s13+$0x70]  }
0x5c: {  	s11 =	sadd.s32 s11, s23;
	[tilespmem:s19+$0xFFFFFE70] =	vst.add.f32.msk $0xffff, v2  }
0x5d: {  	v2 =	vld [tilespmem:s11+$0x0]  }
0x5e: {  	[tilespmem:s19+$0xFFFFFF70] =	vst.add.f32.msk $0xffff, v1  }
0x5f: {  	[tilespmem:s19+$0xFFFFFEE0] =	vst.add.f32.msk $0xffff, v0  }
0x60: {  	s2 =	smov.u32 s29;
	s26 =	sadd.s32 $0x5, s22;
	v0 =	vld [tilespmem:s21+$0x60]  }
0x61: {  	s29 =	sadd.s32 $0x6, s22;
	s10 =	sadd.s32 $0x4, s22;
	s22 =	simm.s32 $0x83F0;
	v1 =	vld [tilespmem:s5+$0x70]  }
0x62: {  	[tilespmem:s22+$0xFFFFFF90] =	vst.add.f32.msk $0xffff, v2  }
0x63: {  	v2 =	vld [tilespmem:s11+$0x10]  }
0x64: {  	[tilespmem:s19+$0x0] =	vst.add.f32.msk $0xffff, v3  }
0x65: {  	p2 =	sgt.u32 s26, $0xC7;
	s5 =	simm.s32 $0xFFFF9C80;
	[tilespmem:s19+$0xFFFFFEF0] =	vst.add.f32.msk $0xffff, v0  }
0x66: {  	p1 =	sgt.u32 s29, $0xC7;
	s5 =	simm.s32 @!p2 $0x80;
	v0 =	vld [tilespmem:s4+$0x70];
	s4 =	simm.s32 $0xFFFF9D00  }
0x67: {  	s1 =	sadd.s32 s5, s23;
	s5 =	sadd.s32 $0xFFFF9C00, s23;
	v3 =	vld [tilespmem:s21+$0x70];
	s4 =	simm.s32 @!p1 $0x100  }
0x68: {  	p1 =	sgt.u32 s10, $0xC7;
	s21 =	smov.u32 s23;
	s4 =	sadd.s32 s4, s23;
	[tilespmem:s22+$0xFFFFFFA0] =	vst.add.f32.msk $0xffff, v2  }
0x69: {  	s21 =	smov.u32 @p1 s5;
	v4 =	vld [tilespmem:s4+$0x0]  }
0x6a: {  	v5 =	vld [tilespmem:s21+$0x0]  }
0x6b: {  	v2 =	vld [tilespmem:s11+$0x20]  }
0x6c: {  	[tilespmem:s19+$0xFFFFFF00] =	vst.add.f32.msk $0xffff, v3  }
0x6d: {  	v3 =	vld [tilespmem:s1+$0x0]  }
0x6e: {  	[tilespmem:s22+$0xFFFFFF10] =	vst.add.f32.msk $0xffff, v4  }
0x6f: {  	[tilespmem:s22+$0xFFFFFE10] =	vst.add.f32.msk $0xffff, v5  }
0x70: {  	[tilespmem:s22+$0xFFFFFFB0] =	vst.add.f32.msk $0xffff, v2  }
0x71: {  	v4 =	vld [tilespmem:s4+$0x10]  }
0x72: {  	v5 =	vld [tilespmem:s21+$0x10]  }
0x73: {  	v2 =	vld [tilespmem:s11+$0x30]  }
0x74: {  	[tilespmem:s22+$0xFFFFFE90] =	vst.add.f32.msk $0xffff, v3  }
0x75: {  	v3 =	vld [tilespmem:s1+$0x10]  }
0x76: {  	[tilespmem:s22+$0xFFFFFF20] =	vst.add.f32.msk $0xffff, v4  }
0x77: {  	[tilespmem:s22+$0xFFFFFE20] =	vst.add.f32.msk $0xffff, v5  }
0x78: {  	[tilespmem:s22+$0xFFFFFFC0] =	vst.add.f32.msk $0xffff, v2  }
0x79: {  	v4 =	vld [tilespmem:s4+$0x20]  }
0x7a: {  	v5 =	vld [tilespmem:s21+$0x20]  }
0x7b: {  	v2 =	vld [tilespmem:s11+$0x40]  }
0x7c: {  	[tilespmem:s22+$0xFFFFFEA0] =	vst.add.f32.msk $0xffff, v3  }
0x7d: {  	v3 =	vld [tilespmem:s1+$0x20]  }
0x7e: {  	[tilespmem:s22+$0xFFFFFF30] =	vst.add.f32.msk $0xffff, v4  }
0x7f: {  	[tilespmem:s22+$0xFFFFFE30] =	vst.add.f32.msk $0xffff, v5  }
0x80: {  	[tilespmem:s22+$0xFFFFFFD0] =	vst.add.f32.msk $0xffff, v2  }
0x81: {  	v2 =	vld [tilespmem:s11+$0x50]  }
0x82: {  	v4 =	vld [tilespmem:s4+$0x30]  }
0x83: {  	v5 =	vld [tilespmem:s21+$0x30]  }
0x84: {  	[tilespmem:s22+$0xFFFFFEB0] =	vst.add.f32.msk $0xffff, v3  }
0x85: {  	v3 =	vld [tilespmem:s1+$0x30]  }
0x86: {  	[tilespmem:s22+$0xFFFFFFE0] =	vst.add.f32.msk $0xffff, v2  }
0x87: {  	[tilespmem:s22+$0xFFFFFF40] =	vst.add.f32.msk $0xffff, v4  }
0x88: {  	[tilespmem:s22+$0xFFFFFE40] =	vst.add.f32.msk $0xffff, v5  }
0x89: {  	v2 =	vld [tilespmem:s11+$0x60]  }
0x8a: {  	v4 =	vld [tilespmem:s4+$0x40]  }
0x8b: {  	v5 =	vld [tilespmem:s21+$0x40]  }
0x8c: {  	[tilespmem:s22+$0xFFFFFEC0] =	vst.add.f32.msk $0xffff, v3  }
0x8d: {  	v3 =	vld [tilespmem:s1+$0x40]  }
0x8e: {  	[tilespmem:s22+$0xFFFFFFF0] =	vst.add.f32.msk $0xffff, v2  }
0x8f: {  	[tilespmem:s22+$0xFFFFFF50] =	vst.add.f32.msk $0xffff, v4  }
0x90: {  	[tilespmem:s22+$0xFFFFFE50] =	vst.add.f32.msk $0xffff, v5  }
0x91: {  	v2 =	vld [tilespmem:s11+$0x70]  }
0x92: {  	[tilespmem:s22+$0xFFFFFED0] =	vst.add.f32.msk $0xffff, v3  }
0x93: {  	s18 =	smulhi.u32 $0x51EB851F, s6;
	v3 =	vld [tilespmem:s1+$0x50]  }
0x94: {  	[dreg:$0xa] =	wrdreg s15  }
0x95: {  	s20 =	sshrl.u32 s18, $0x6;
	s18 =	smul.u32 $0x280, s25;
	v4 =	vld [tilespmem:s21+$0x50]  }
0x96: {  	s13 =	smulhi.u32 $0x51EB851F, s14;
	[tilespmem:s22+$0x0] =	vst.add.f32.msk $0xffff, v2  }
0x97: {  	s15 =	smulhi.u32 $0x51EB851F, s15;
	v2 =	vld [tilespmem:s4+$0x50]  }
0x98: {  	s5 =	sshrl.u32 s13, $0x6;
	s13 =	smul.u32 $0xFFFF9C00, s20;
	[tilespmem:s22+$0xFFFFFEE0] =	vst.add.f32.msk $0xffff, v3  }
0x99: {  	s26 =	smul.u32 $0xFFFF9C00, s5;
	s17 =	sshrl.u32 s15, $0x6;
	[dreg:$0x9] =	wrdreg s6  }
0x9a: {  	s10 =	smul.u32 $0xFFFF9C00, s17;
	v3 =	vld [tilespmem:s1+$0x60]  }
0x9b: {  	s11 =	smul.u32 $0xC8, s17;
	[tilespmem:s19+$0xFFFFFF80] =	vst.add.f32.msk $0xffff, v1  }
0x9c: {  	s17 =	smulhi.u32 $0x51EB851F, s7;
	[tilespmem:s22+$0xFFFFFF60] =	vst.add.f32.msk $0xffff, v2  }
0x9d: {  	s5 =	smul.u32 $0xC8, s5;
	[tilespmem:s22+$0xFFFFFE60] =	vst.add.f32.msk $0xffff, v4  }
0x9e: {  	s15 =	smul.u32 $0xC8, s20;
	s17 =	sshrl.u32 s17, $0x6;
	v2 =	vld [tilespmem:s4+$0x60]  }
0x9f: {  	s29 =	smul.u32 $0xC8, s17;
	[tilespmem:s22+$0xFFFFFEF0] =	vst.add.f32.msk $0xffff, v3  }
0xa0: {  	s28 =	ssub.s32 s8, s5;
	s5 =	simm.s32 $0x4;
	s15 =	ssub.s32 s8, s15;
	v3 =	vld [tilespmem:s21+$0x60]  }
0xa1: {  	s11 =	ssub.s32 s8, s11;
	s20 =	smul.u32 $0xFFFF9C00, s17;
	s17 =	ssub.s32 s8, s29;
	v1 =	vld [tilespmem:s1+$0x70]  }
.LBB2_3:
0xa2: {  	s1 =	sadd.s32 s5, s16  }
0xa3: {  	s5 =	sadd.s32 $0x4, s5;
	[tilespmem:s19+$0xFFFFFE80] =	vst.add.f32.msk $0xffff, v0;
	s19 =	smov.u32 s22;
	s23 =	sadd.s32 $0x200, s23  }
0xa4: {  	s29 =	sadd.s32 $0x5, s1;
	s6 =	sadd.s32 $0x7, s1;
	p1 =	slt.u32 s5, $0x7C;
	[tilespmem:s22+$0xFFFFFF70] =	vst.add.f32.msk $0xffff, v2  }
0xa5: {  	p3 =	sgt.u32 s29, $0xC7;
	s29 =	sadd.s32 $0x6, s1;
	p4 =	sgt.u32 s6, $0xC7;
	[tilespmem:s22+$0xFFFFFE70] =	vst.add.f32.msk $0xffff, v3  }
0xa6: {  	s6 =	simm.s32 $0xFFFF9D80;
	s1 =	sadd.s32 $0x4, s1;
	v2 =	vld [tilespmem:s4+$0x70];
	s4 =	simm.s32 $0xFFFF9C80  }
0xa7: {  	p2 =	sgt.u32 s29, $0xC7;
	s6 =	simm.s32 @!p4 $0x180;
	s4 =	simm.s32 @!p3 $0x80  }
0xa8: {  	s29 =	sadd.s32 s6, s23;
	v0 =	vld [tilespmem:s21+$0x70];
	p3 =	sgt.u32 s1, $0xC7;
	s6 =	simm.s32 $0xFFFF9D00  }
0xa9: {  	s1 =	sadd.s32 $0xFFFF9C00, s23;
	s21 =	smov.u32 s23;
	s6 =	simm.s32 @!p2 $0x100;
	v3 =	vld [tilespmem:s29+$0x0]  }
0xaa: {  	s21 =	smov.u32 @p3 s1;
	s1 =	sadd.s32 s4, s23;
	s4 =	sadd.s32 s6, s23;
	[tilespmem:s22+$0xFFFFFF00] =	vst.add.f32.msk $0xffff, v1  }
0xab: {  	v1 =	vld [tilespmem:s1+$0x0]  }
0xac: {  	v4 =	vld [tilespmem:s4+$0x0]  }
0xad: {  	s22 =	sadd.s32 $0x200, s22;
	v5 =	vld [tilespmem:s21+$0x0]  }
0xae: {  	[tilespmem:s22+$0xFFFFFF90] =	vst.add.f32.msk $0xffff, v3  }
0xaf: {  	v3 =	vld [tilespmem:s29+$0x10]  }
0xb0: {  	[tilespmem:s22+$0xFFFFFE90] =	vst.add.f32.msk $0xffff, v1  }
0xb1: {  	[tilespmem:s22+$0xFFFFFF10] =	vst.add.f32.msk $0xffff, v4  }
0xb2: {  	[tilespmem:s22+$0xFFFFFE10] =	vst.add.f32.msk $0xffff, v5  }
0xb3: {  	v1 =	vld [tilespmem:s1+$0x10]  }
0xb4: {  	[tilespmem:s22+$0xFFFFFFA0] =	vst.add.f32.msk $0xffff, v3  }
0xb5: {  	v3 =	vld [tilespmem:s29+$0x20]  }
0xb6: {  	v4 =	vld [tilespmem:s4+$0x10]  }
0xb7: {  	v5 =	vld [tilespmem:s21+$0x10]  }
0xb8: {  	[tilespmem:s22+$0xFFFFFEA0] =	vst.add.f32.msk $0xffff, v1  }
0xb9: {  	v1 =	vld [tilespmem:s1+$0x20]  }
0xba: {  	[tilespmem:s22+$0xFFFFFFB0] =	vst.add.f32.msk $0xffff, v3  }
0xbb: {  	v3 =	vld [tilespmem:s29+$0x30]  }
0xbc: {  	[tilespmem:s22+$0xFFFFFF20] =	vst.add.f32.msk $0xffff, v4  }
0xbd: {  	[tilespmem:s22+$0xFFFFFE20] =	vst.add.f32.msk $0xffff, v5  }
0xbe: {  	v4 =	vld [tilespmem:s4+$0x20]  }
0xbf: {  	v5 =	vld [tilespmem:s21+$0x20]  }
0xc0: {  	[tilespmem:s22+$0xFFFFFFC0] =	vst.add.f32.msk $0xffff, v3  }
0xc1: {  	v3 =	vld [tilespmem:s29+$0x40]  }
0xc2: {  	[tilespmem:s22+$0xFFFFFEB0] =	vst.add.f32.msk $0xffff, v1  }
0xc3: {  	[tilespmem:s22+$0xFFFFFF30] =	vst.add.f32.msk $0xffff, v4  }
0xc4: {  	[tilespmem:s22+$0xFFFFFE30] =	vst.add.f32.msk $0xffff, v5  }
0xc5: {  	v1 =	vld [tilespmem:s1+$0x30]  }
0xc6: {  	[tilespmem:s22+$0xFFFFFFD0] =	vst.add.f32.msk $0xffff, v3  }
0xc7: {  	v3 =	vld [tilespmem:s29+$0x50]  }
0xc8: {  	v4 =	vld [tilespmem:s4+$0x30]  }
0xc9: {  	v5 =	vld [tilespmem:s21+$0x30]  }
0xca: {  	[tilespmem:s22+$0xFFFFFEC0] =	vst.add.f32.msk $0xffff, v1  }
0xcb: {  	v1 =	vld [tilespmem:s1+$0x40]  }
0xcc: {  	[tilespmem:s22+$0xFFFFFFE0] =	vst.add.f32.msk $0xffff, v3  }
0xcd: {  	v3 =	vld [tilespmem:s29+$0x60]  }
0xce: {  	[tilespmem:s22+$0xFFFFFF40] =	vst.add.f32.msk $0xffff, v4  }
0xcf: {  	[tilespmem:s22+$0xFFFFFE40] =	vst.add.f32.msk $0xffff, v5  }
0xd0: {  	v4 =	vld [tilespmem:s4+$0x40]  }
0xd1: {  	v5 =	vld [tilespmem:s21+$0x40]  }
0xd2: {  	[tilespmem:s22+$0xFFFFFFF0] =	vst.add.f32.msk $0xffff, v3  }
0xd3: {  	v3 =	vld [tilespmem:s29+$0x70]  }
0xd4: {  	[tilespmem:s22+$0xFFFFFED0] =	vst.add.f32.msk $0xffff, v1  }
0xd5: {  	[tilespmem:s22+$0xFFFFFF50] =	vst.add.f32.msk $0xffff, v4  }
0xd6: {  	[tilespmem:s22+$0xFFFFFE50] =	vst.add.f32.msk $0xffff, v5  }
0xd7: {  	v1 =	vld [tilespmem:s1+$0x50]  }
0xd8: {  	[tilespmem:s22+$0x0] =	vst.add.f32.msk $0xffff, v3  }
0xd9: {  	v3 =	vld [tilespmem:s4+$0x50]  }
0xda: {  	v4 =	vld [tilespmem:s21+$0x50]  }
0xdb: {  	[tilespmem:s19+$0xFFFFFF80] =	vst.add.f32.msk $0xffff, v2  }
0xdc: {  	[tilespmem:s22+$0xFFFFFEE0] =	vst.add.f32.msk $0xffff, v1  }
0xdd: {  	v1 =	vld [tilespmem:s1+$0x60]  }
0xde: {  	[tilespmem:s22+$0xFFFFFF60] =	vst.add.f32.msk $0xffff, v3  }
.Ltmp0:
0xdf: {  	[tilespmem:s22+$0xFFFFFE60] =	vst.add.f32.msk $0xffff, v4;
	(pc) =	sbr.rel @p1 .LBB2_3-.Ltmp0, $4  }
0xe0: {  	v2 =	vld [tilespmem:s4+$0x60]  }
0xe1: {  	v3 =	vld [tilespmem:s21+$0x60]  }
0xe2: {  	[tilespmem:s22+$0xFFFFFEF0] =	vst.add.f32.msk $0xffff, v1  }
0xe3: {  	v1 =	vld [tilespmem:s1+$0x70]  }
0xe4: {  	[tilespmem:s19+$0xFFFFFE80] =	vst.add.f32.msk $0xffff, v0  }
0xe5: {  	[tilespmem:s22+$0xFFFFFF70] =	vst.add.f32.msk $0xffff, v2  }
0xe6: {  	[tilespmem:s22+$0xFFFFFE70] =	vst.add.f32.msk $0xffff, v3  }
0xe7: {  	v2 =	vld [tilespmem:s4+$0x70]  }
0xe8: {  	v3 =	vld [tilespmem:s21+$0x70]  }
0xe9: {  	[tilespmem:s22+$0xFFFFFF00] =	vst.add.f32.msk $0xffff, v1  }
0xea: {  	s1 =	rddreg [dreg:$0x5]  }
0xeb: {  	s29 =	simm.s32 $0x0;
	s1 =	sadd.s32 s1, s18  }
0xec: {  	s5 =	simm.s32 $0x8000;
	s6 =	simm.s32 $0x2;
	[tilespmem:s22+$0xFFFFFF80] =	vst.add.f32.msk $0xffff, v2;
	s1 =	sshll.u32 s1, $0x4  }
0xed: {  	s16 =	simm.s32 $0x80;
	s19 =	simm.s32 $0x18000;
	[tilespmem:s22+$0xFFFFFE80] =	vst.add.f32.msk $0xffff, v3;
	s1 =	sadd.s32 s3, s1  }
0xee: {  	[hbm4b:s1+s29] =	stream.linear.scatter [tilespmem:s5], [sflag:$0x6], $0x4000, $0x38;
	[tilespmem:$0x1C000] =	vst v63  }
0xef: {  	s4 =	sadd.s32 $0x4, s30;
	s21 =	sadd.s32 $0xFFFFFFFC, s17;
	_ =	swait.ge [sflag:s6], $0x4000  }
0xf0: {  	s23 =	sadd.s32 $0x84, s21;
	s1 =	simm.s32 @!p0 $0xA;
	[sflag:s6] =	ssyncset.done $0x0  }
0xf1: {  	[dreg:$0xc] =	wrdreg s4;
	s4 =	sshll.u32 @!p0 s4, $0x7;
	[sflag:s6] =	ssyncadd.s32 $0xFFFFC000  }
0xf2: {  	s22 =	sadd.s32 $0x86, s21;
	s4 =	sand.u32 @!p0 $0x3FFFFF80, s4;
	_ =	swait.ge @!p0 [sflag:s1], $0x4000  }
0xf3: {  	s4 =	sadd.s32 @!p0 $0x6400, s4;
	s6 =	simm.s32 $0xFFFF9B80;
	[sflag:s1] =	ssyncset.done @!p0 $0x0  }
0xf4: {  	s4 =	simm.s32 @p0 $0x6600;
	[sflag:s1] =	ssyncadd.s32 @!p0 $0xFFFFC000;
	p0 =	sgt.u32 s22, $0xC7  }
0xf5: {  	[tilespmem:s19], [sflag:$0x5] =	stream.indirect.gather [hbm4b:s2+s16], $0x80, s4, s16, $0xb8;
	[tilespmem:$0x1C000] =	vst v63  }
0xf6: {  	s1 =	sadd.s32 s31, s20;
	s16 =	sadd.s32 $0x85, s21;
	s6 =	simm.s32 @!p0 $0xFFFFFF80  }
0xf7: {  	p0 =	sgt.u32 s23, $0xC7;
	s29 =	sadd.s32 s6, s1;
	s6 =	simm.s32 $0xFFFF9A80  }
0xf8: {  	p1 =	sgt.u32 s16, $0xC7;
	s16 =	simm.s32 $0xFFFF9B00;
	s6 =	simm.s32 @!p0 $0xFFFFFE80;
	v0 =	vld [tilespmem:s29+$0x0]  }
0xf9: {  	s4 =	sadd.s32 $0x87, s21;
	s16 =	simm.s32 @!p1 $0xFFFFFF00;
	s6 =	sadd.s32 s6, s1  }
0xfa: {  	p0 =	sgt.u32 s4, $0xC7;
	s4 =	sadd.s32 s16, s1;
	s16 =	sadd.s32 $0xFFFF9C00, s1;
	v1 =	vld [tilespmem:s6+$0x0]  }
0xfb: {  	s1 =	smov.u32 @p0 s16;
	v2 =	vld [tilespmem:s4+$0x0]  }
0xfc: {  	s16 =	simm.s32 $0xC1F0;
	v3 =	vld [tilespmem:s1+$0x0]  }
0xfd: {  	[tilespmem:s16+$0xFFFFFF10] =	vst.add.f32.msk $0xffff, v0  }
0xfe: {  	v0 =	vld [tilespmem:s29+$0x10]  }
0xff: {  	[tilespmem:s16+$0xFFFFFE10] =	vst.add.f32.msk $0xffff, v1  }
0x100: {  	[tilespmem:s16+$0xFFFFFE90] =	vst.add.f32.msk $0xffff, v2  }
0x101: {  	[tilespmem:s16+$0xFFFFFF90] =	vst.add.f32.msk $0xffff, v3  }
0x102: {  	v1 =	vld [tilespmem:s6+$0x10]  }
0x103: {  	v2 =	vld [tilespmem:s4+$0x10]  }
0x104: {  	v3 =	vld [tilespmem:s1+$0x10]  }
0x105: {  	[tilespmem:s16+$0xFFFFFF20] =	vst.add.f32.msk $0xffff, v0  }
0x106: {  	v0 =	vld [tilespmem:s29+$0x20]  }
0x107: {  	[tilespmem:s16+$0xFFFFFE20] =	vst.add.f32.msk $0xffff, v1  }
0x108: {  	[tilespmem:s16+$0xFFFFFEA0] =	vst.add.f32.msk $0xffff, v2  }
0x109: {  	v1 =	vld [tilespmem:s6+$0x20]  }
0x10a: {  	[tilespmem:s16+$0xFFFFFFA0] =	vst.add.f32.msk $0xffff, v3  }
0x10b: {  	v2 =	vld [tilespmem:s4+$0x20]  }
0x10c: {  	v3 =	vld [tilespmem:s1+$0x20]  }
0x10d: {  	[tilespmem:s16+$0xFFFFFF30] =	vst.add.f32.msk $0xffff, v0  }
0x10e: {  	v0 =	vld [tilespmem:s29+$0x30]  }
0x10f: {  	[tilespmem:s16+$0xFFFFFE30] =	vst.add.f32.msk $0xffff, v1  }
0x110: {  	[tilespmem:s16+$0xFFFFFEB0] =	vst.add.f32.msk $0xffff, v2  }
0x111: {  	[tilespmem:s16+$0xFFFFFFB0] =	vst.add.f32.msk $0xffff, v3  }
0x112: {  	v1 =	vld [tilespmem:s6+$0x30]  }
0x113: {  	v2 =	vld [tilespmem:s4+$0x30]  }
0x114: {  	v3 =	vld [tilespmem:s1+$0x30]  }
0x115: {  	[tilespmem:s16+$0xFFFFFF40] =	vst.add.f32.msk $0xffff, v0  }
0x116: {  	v0 =	vld [tilespmem:s29+$0x40]  }
0x117: {  	[tilespmem:s16+$0xFFFFFE40] =	vst.add.f32.msk $0xffff, v1  }
0x118: {  	[tilespmem:s16+$0xFFFFFEC0] =	vst.add.f32.msk $0xffff, v2  }
0x119: {  	v1 =	vld [tilespmem:s6+$0x40]  }
0x11a: {  	v2 =	vld [tilespmem:s4+$0x40]  }
0x11b: {  	[tilespmem:s16+$0xFFFFFFC0] =	vst.add.f32.msk $0xffff, v3  }
0x11c: {  	v3 =	vld [tilespmem:s1+$0x40]  }
0x11d: {  	[tilespmem:s16+$0xFFFFFF50] =	vst.add.f32.msk $0xffff, v0  }
0x11e: {  	v0 =	vld [tilespmem:s29+$0x50]  }
0x11f: {  	[tilespmem:s16+$0xFFFFFE50] =	vst.add.f32.msk $0xffff, v1  }
0x120: {  	[tilespmem:s16+$0xFFFFFED0] =	vst.add.f32.msk $0xffff, v2  }
0x121: {  	[tilespmem:s16+$0xFFFFFFD0] =	vst.add.f32.msk $0xffff, v3  }
0x122: {  	v1 =	vld [tilespmem:s4+$0x50]  }
0x123: {  	v2 =	vld [tilespmem:s1+$0x50];
	_ =	sdelay $0x1  }
0x124: {  	[tilespmem:s16+$0xFFFFFF60] =	vst.add.f32.msk $0xffff, v0  }
0x125: {  	v0 =	vld [tilespmem:s29+$0x60]  }
0x126: {  	[tilespmem:s16+$0xFFFFFEE0] =	vst.add.f32.msk $0xffff, v1  }
0x127: {  	[tilespmem:s16+$0xFFFFFFE0] =	vst.add.f32.msk $0xffff, v2  }
0x128: {  	v1 =	vld [tilespmem:s4+$0x60]  }
0x129: {  	v2 =	vld [tilespmem:s1+$0x60]  }
0x12a: {  	[tilespmem:s16+$0xFFFFFF70] =	vst.add.f32.msk $0xffff, v0  }
0x12b: {  	v0 =	vld [tilespmem:s6+$0x50]  }
0x12c: {  	s5 =	sadd.s32 $0x0, s17;
	v3 =	vld [tilespmem:s29+$0x70]  }
0x12d: {  	s29 =	sadd.s32 $0x86, s5;
	[tilespmem:s16+$0xFFFFFEF0] =	vst.add.f32.msk $0xffff, v1  }
0x12e: {  	s22 =	simm.s32 $0xFFFF9B80;
	s19 =	sadd.s32 $0x200, s31;
	p0 =	sgt.u32 s29, $0xC7;
	[tilespmem:s16+$0xFFFFFFF0] =	vst.add.f32.msk $0xffff, v2  }
0x12f: {  	s30 =	sadd.s32 $0x84, s5;
	s21 =	sadd.s32 s19, s20;
	s22 =	simm.s32 @!p0 $0xFFFFFF80;
	v1 =	vld [tilespmem:s4+$0x70]  }
0x130: {  	p0 =	sgt.u32 s30, $0xC7;
	s30 =	sadd.s32 s22, s21;
	[tilespmem:s16+$0xFFFFFE60] =	vst.add.f32.msk $0xffff, v0  }
0x131: {  	s23 =	sadd.s32 $0x85, s5;
	v2 =	vld [tilespmem:s30+$0x0]  }
0x132: {  	p1 =	sgt.u32 s23, $0xC7;
	s4 =	simm.s32 $0xFFFF9B00;
	v0 =	vld [tilespmem:s6+$0x60]  }
0x133: {  	s4 =	simm.s32 @!p1 $0xFFFFFF00  }
0x134: {  	s4 =	sadd.s32 s4, s21;
	[tilespmem:s16+$0xFFFFFF80] =	vst.add.f32.msk $0xffff, v3  }
0x135: {  	s22 =	simm.s32 $0xC3F0;
	v4 =	vld [tilespmem:s4+$0x0]  }
0x136: {  	[tilespmem:s22+$0xFFFFFF10] =	vst.add.f32.msk $0xffff, v2  }
0x137: {  	[tilespmem:s16+$0xFFFFFE70] =	vst.add.f32.msk $0xffff, v0  }
0x138: {  	v0 =	vld [tilespmem:s1+$0x70]  }
0x139: {  	v2 =	vld [tilespmem:s30+$0x10]  }
0x13a: {  	s5 =	sadd.s32 $0x87, s5;
	s1 =	simm.s32 $0xFFFF9A80;
	v3 =	vld [tilespmem:s6+$0x70]  }
0x13b: {  	[tilespmem:s22+$0xFFFFFE90] =	vst.add.f32.msk $0xffff, v4;
	s1 =	simm.s32 @!p0 $0xFFFFFE80;
	p0 =	sgt.u32 s5, $0xC7;
	s5 =	sadd.s32 $0xFFFF9C00, s21  }
0x13c: {  	v4 =	vld [tilespmem:s4+$0x10];
	s1 =	sadd.s32 s1, s21;
	s21 =	smov.u32 @p0 s5  }
0x13d: {  	v5 =	vld [tilespmem:s21+$0x0]  }
0x13e: {  	[tilespmem:s22+$0xFFFFFF20] =	vst.add.f32.msk $0xffff, v2  }
0x13f: {  	[tilespmem:s16+$0xFFFFFE80] =	vst.add.f32.msk $0xffff, v3  }
0x140: {  	v3 =	vld [tilespmem:s1+$0x0]  }
0x141: {  	v2 =	vld [tilespmem:s30+$0x20]  }
0x142: {  	[tilespmem:s22+$0xFFFFFEA0] =	vst.add.f32.msk $0xffff, v4  }
0x143: {  	v4 =	vld [tilespmem:s4+$0x20]  }
0x144: {  	[tilespmem:s22+$0xFFFFFF90] =	vst.add.f32.msk $0xffff, v5  }
0x145: {  	v5 =	vld [tilespmem:s21+$0x10]  }
0x146: {  	[tilespmem:s22+$0xFFFFFE10] =	vst.add.f32.msk $0xffff, v3  }
0x147: {  	[tilespmem:s22+$0xFFFFFF30] =	vst.add.f32.msk $0xffff, v2  }
0x148: {  	v3 =	vld [tilespmem:s1+$0x10]  }
0x149: {  	v2 =	vld [tilespmem:s30+$0x30]  }
0x14a: {  	[tilespmem:s22+$0xFFFFFEB0] =	vst.add.f32.msk $0xffff, v4  }
0x14b: {  	v4 =	vld [tilespmem:s4+$0x30]  }
0x14c: {  	[tilespmem:s22+$0xFFFFFFA0] =	vst.add.f32.msk $0xffff, v5  }
0x14d: {  	v5 =	vld [tilespmem:s21+$0x20]  }
0x14e: {  	[tilespmem:s22+$0xFFFFFE20] =	vst.add.f32.msk $0xffff, v3  }
0x14f: {  	[tilespmem:s22+$0xFFFFFF40] =	vst.add.f32.msk $0xffff, v2  }
0x150: {  	v2 =	vld [tilespmem:s30+$0x40]  }
0x151: {  	v3 =	vld [tilespmem:s1+$0x20]  }
0x152: {  	[tilespmem:s22+$0xFFFFFEC0] =	vst.add.f32.msk $0xffff, v4  }
0x153: {  	[tilespmem:s22+$0xFFFFFFB0] =	vst.add.f32.msk $0xffff, v5  }
0x154: {  	v5 =	vld [tilespmem:s21+$0x30]  }
0x155: {  	[tilespmem:s22+$0xFFFFFF50] =	vst.add.f32.msk $0xffff, v2  }
0x156: {  	v2 =	vld [tilespmem:s30+$0x50]  }
0x157: {  	v4 =	vld [tilespmem:s4+$0x40]  }
0x158: {  	[tilespmem:s22+$0xFFFFFE30] =	vst.add.f32.msk $0xffff, v3  }
0x159: {  	v3 =	vld [tilespmem:s1+$0x30]  }
0x15a: {  	[tilespmem:s22+$0xFFFFFFC0] =	vst.add.f32.msk $0xffff, v5  }
0x15b: {  	[tilespmem:s22+$0xFFFFFF60] =	vst.add.f32.msk $0xffff, v2  }
0x15c: {  	v2 =	vld [tilespmem:s30+$0x60]  }
0x15d: {  	v5 =	vld [tilespmem:s21+$0x40]  }
0x15e: {  	[tilespmem:s22+$0xFFFFFE40] =	vst.add.f32.msk $0xffff, v3  }
0x15f: {  	v3 =	vld [tilespmem:s1+$0x40]  }
0x160: {  	[tilespmem:s22+$0xFFFFFED0] =	vst.add.f32.msk $0xffff, v4  }
0x161: {  	[tilespmem:s22+$0xFFFFFF70] =	vst.add.f32.msk $0xffff, v2  }
0x162: {  	v2 =	vld [tilespmem:s30+$0x70]  }
0x163: {  	[tilespmem:s22+$0xFFFFFFD0] =	vst.add.f32.msk $0xffff, v5  }
0x164: {  	[tilespmem:s22+$0xFFFFFE50] =	vst.add.f32.msk $0xffff, v3  }
0x165: {  	v3 =	vld [tilespmem:s1+$0x50]  }
0x166: {  	v4 =	vld [tilespmem:s21+$0x50]  }
0x167: {  	[tilespmem:s22+$0xFFFFFF80] =	vst.add.f32.msk $0xffff, v2  }
0x168: {  	v2 =	vld [tilespmem:s4+$0x50]  }
0x169: {  	[tilespmem:s16+$0xFFFFFF00] =	vst.add.f32.msk $0xffff, v1  }
0x16a: {  	[tilespmem:s22+$0xFFFFFE60] =	vst.add.f32.msk $0xffff, v3  }
0x16b: {  	v1 =	vld [tilespmem:s1+$0x60]  }
0x16c: {  	[tilespmem:s22+$0xFFFFFFE0] =	vst.add.f32.msk $0xffff, v4  }
0x16d: {  	[tilespmem:s22+$0xFFFFFEE0] =	vst.add.f32.msk $0xffff, v2  }
0x16e: {  	v2 =	vld [tilespmem:s21+$0x60]  }
0x16f: {  	v3 =	vld [tilespmem:s4+$0x60]  }
0x170: {  	[tilespmem:s22+$0xFFFFFE70] =	vst.add.f32.msk $0xffff, v1  }
0x171: {  	s23 =	sadd.s32 $0x80, s18;
	s5 =	simm.s32 $0x4;
	v1 =	vld [tilespmem:s1+$0x70]  }
.LBB2_5:
0x172: {  	s1 =	sadd.s32 s5, s17  }
0x173: {  	s5 =	sadd.s32 $0x4, s5;
	[tilespmem:s16+$0x0] =	vst.add.f32.msk $0xffff, v0;
	s16 =	smov.u32 s22;
	s19 =	sadd.s32 $0x200, s19  }
0x174: {  	s6 =	sadd.s32 $0x84, s1;
	s29 =	sadd.s32 $0x86, s1;
	p0 =	slt.u32 s5, $0x7C  }
0x175: {  	[tilespmem:s22+$0xFFFFFEF0] =	vst.add.f32.msk $0xffff, v3;
	s30 =	sadd.s32 $0x85, s1;
	s1 =	sadd.s32 $0x87, s1;
	p1 =	sgt.u32 s29, $0xC7  }
0x176: {  	[tilespmem:s22+$0xFFFFFFF0] =	vst.add.f32.msk $0xffff, v2;
	p2 =	sgt.u32 s6, $0xC7;
	s6 =	sadd.s32 s19, s20;
	s29 =	simm.s32 $0xFFFF9B80  }
0x177: {  	s29 =	simm.s32 @!p1 $0xFFFFFF80;
	v2 =	vld [tilespmem:s4+$0x70];
	p1 =	sgt.u32 s30, $0xC7;
	s4 =	simm.s32 $0xFFFF9A80  }
0x178: {  	s30 =	sadd.s32 $0xFFFF9C00, s6;
	s29 =	sadd.s32 s29, s6;
	v0 =	vld [tilespmem:s21+$0x70];
	s21 =	simm.s32 $0xFFFF9B00  }
0x179: {  	s4 =	simm.s32 @!p2 $0xFFFFFE80;
	s21 =	simm.s32 @!p1 $0xFFFFFF00;
	v3 =	vld [tilespmem:s29+$0x0];
	p1 =	sgt.u32 s1, $0xC7  }
0x17a: {  	s1 =	sadd.s32 s4, s6;
	s4 =	sadd.s32 s21, s6;
	[tilespmem:s22+$0xFFFFFE80] =	vst.add.f32.msk $0xffff, v1;
	s21 =	smov.u32 s6  }
0x17b: {  	v1 =	vld [tilespmem:s1+$0x0];
	s21 =	smov.u32 @p1 s30  }
0x17c: {  	v4 =	vld [tilespmem:s4+$0x0]  }
0x17d: {  	s22 =	sadd.s32 $0x200, s22;
	v5 =	vld [tilespmem:s21+$0x0]  }
0x17e: {  	[tilespmem:s22+$0xFFFFFF10] =	vst.add.f32.msk $0xffff, v3  }
0x17f: {  	v3 =	vld [tilespmem:s29+$0x10]  }
0x180: {  	[tilespmem:s22+$0xFFFFFE10] =	vst.add.f32.msk $0xffff, v1  }
0x181: {  	[tilespmem:s22+$0xFFFFFE90] =	vst.add.f32.msk $0xffff, v4  }
0x182: {  	[tilespmem:s22+$0xFFFFFF90] =	vst.add.f32.msk $0xffff, v5  }
0x183: {  	v1 =	vld [tilespmem:s1+$0x10]  }
0x184: {  	[tilespmem:s22+$0xFFFFFF20] =	vst.add.f32.msk $0xffff, v3  }
0x185: {  	v3 =	vld [tilespmem:s29+$0x20]  }
0x186: {  	v4 =	vld [tilespmem:s4+$0x10]  }
0x187: {  	v5 =	vld [tilespmem:s21+$0x10]  }
0x188: {  	[tilespmem:s22+$0xFFFFFE20] =	vst.add.f32.msk $0xffff, v1  }
0x189: {  	v1 =	vld [tilespmem:s1+$0x20]  }
0x18a: {  	[tilespmem:s22+$0xFFFFFF30] =	vst.add.f32.msk $0xffff, v3  }
0x18b: {  	v3 =	vld [tilespmem:s29+$0x30]  }
0x18c: {  	[tilespmem:s22+$0xFFFFFEA0] =	vst.add.f32.msk $0xffff, v4  }
0x18d: {  	[tilespmem:s22+$0xFFFFFFA0] =	vst.add.f32.msk $0xffff, v5  }
0x18e: {  	v4 =	vld [tilespmem:s4+$0x20]  }
0x18f: {  	v5 =	vld [tilespmem:s21+$0x20]  }
0x190: {  	[tilespmem:s22+$0xFFFFFF40] =	vst.add.f32.msk $0xffff, v3  }
0x191: {  	v3 =	vld [tilespmem:s29+$0x40]  }
0x192: {  	[tilespmem:s22+$0xFFFFFE30] =	vst.add.f32.msk $0xffff, v1  }
0x193: {  	[tilespmem:s22+$0xFFFFFEB0] =	vst.add.f32.msk $0xffff, v4  }
0x194: {  	[tilespmem:s22+$0xFFFFFFB0] =	vst.add.f32.msk $0xffff, v5  }
0x195: {  	v1 =	vld [tilespmem:s1+$0x30]  }
0x196: {  	[tilespmem:s22+$0xFFFFFF50] =	vst.add.f32.msk $0xffff, v3  }
0x197: {  	v3 =	vld [tilespmem:s29+$0x50]  }
0x198: {  	v4 =	vld [tilespmem:s4+$0x30]  }
0x199: {  	v5 =	vld [tilespmem:s21+$0x30]  }
0x19a: {  	[tilespmem:s22+$0xFFFFFE40] =	vst.add.f32.msk $0xffff, v1  }
0x19b: {  	v1 =	vld [tilespmem:s1+$0x40]  }
0x19c: {  	[tilespmem:s22+$0xFFFFFF60] =	vst.add.f32.msk $0xffff, v3  }
0x19d: {  	v3 =	vld [tilespmem:s29+$0x60]  }
0x19e: {  	[tilespmem:s22+$0xFFFFFEC0] =	vst.add.f32.msk $0xffff, v4  }
0x19f: {  	[tilespmem:s22+$0xFFFFFFC0] =	vst.add.f32.msk $0xffff, v5  }
0x1a0: {  	v4 =	vld [tilespmem:s4+$0x40]  }
0x1a1: {  	v5 =	vld [tilespmem:s21+$0x40]  }
0x1a2: {  	[tilespmem:s22+$0xFFFFFF70] =	vst.add.f32.msk $0xffff, v3  }
0x1a3: {  	v3 =	vld [tilespmem:s29+$0x70]  }
0x1a4: {  	[tilespmem:s22+$0xFFFFFE50] =	vst.add.f32.msk $0xffff, v1  }
0x1a5: {  	[tilespmem:s22+$0xFFFFFED0] =	vst.add.f32.msk $0xffff, v4  }
0x1a6: {  	[tilespmem:s22+$0xFFFFFFD0] =	vst.add.f32.msk $0xffff, v5  }
0x1a7: {  	v1 =	vld [tilespmem:s1+$0x50]  }
0x1a8: {  	[tilespmem:s22+$0xFFFFFF80] =	vst.add.f32.msk $0xffff, v3  }
0x1a9: {  	v3 =	vld [tilespmem:s4+$0x50]  }
0x1aa: {  	v4 =	vld [tilespmem:s21+$0x50]  }
0x1ab: {  	[tilespmem:s16+$0xFFFFFF00] =	vst.add.f32.msk $0xffff, v2  }
0x1ac: {  	[tilespmem:s22+$0xFFFFFE60] =	vst.add.f32.msk $0xffff, v1  }
0x1ad: {  	v1 =	vld [tilespmem:s1+$0x60]  }
0x1ae: {  	[tilespmem:s22+$0xFFFFFEE0] =	vst.add.f32.msk $0xffff, v3  }
.Ltmp1:
0x1af: {  	[tilespmem:s22+$0xFFFFFFE0] =	vst.add.f32.msk $0xffff, v4;
	(pc) =	sbr.rel @p0 .LBB2_5-.Ltmp1, $4  }
0x1b0: {  	v3 =	vld [tilespmem:s4+$0x60]  }
0x1b1: {  	v2 =	vld [tilespmem:s21+$0x60]  }
0x1b2: {  	[tilespmem:s22+$0xFFFFFE70] =	vst.add.f32.msk $0xffff, v1  }
0x1b3: {  	v1 =	vld [tilespmem:s1+$0x70]  }
0x1b4: {  	[tilespmem:s16+$0x0] =	vst.add.f32.msk $0xffff, v0  }
0x1b5: {  	[tilespmem:s22+$0xFFFFFEF0] =	vst.add.f32.msk $0xffff, v3  }
0x1b6: {  	[tilespmem:s22+$0xFFFFFFF0] =	vst.add.f32.msk $0xffff, v2  }
0x1b7: {  	v2 =	vld [tilespmem:s4+$0x70]  }
0x1b8: {  	v3 =	vld [tilespmem:s21+$0x70]  }
0x1b9: {  	[tilespmem:s22+$0xFFFFFE80] =	vst.add.f32.msk $0xffff, v1  }
0x1ba: {  	s1 =	rddreg [dreg:$0x5]  }
0x1bb: {  	s1 =	sadd.s32 s1, s23  }
0x1bc: {  	s30 =	smov.u32 s3;
	s23 =	simm.s32 $0x3;
	[tilespmem:s22+$0xFFFFFF00] =	vst.add.f32.msk $0xffff, v2;
	s1 =	sshll.u32 s1, $0x4  }
0x1bd: {  	[tilespmem:s22+$0x0] =	vst.add.f32.msk $0xffff, v3;
	s1 =	sadd.s32 s3, s1;
	s3 =	simm.s32 $0x0;
	s22 =	simm.s32 $0xC000  }
0x1be: {  	[hbm4b:s1+s3] =	stream.linear.scatter [tilespmem:s22], [sflag:$0x7], $0x4000, $0x38;
	[tilespmem:$0x1C000] =	vst v63  }
0x1bf: {  	_ =	swait.ge [sflag:s23], $0x4000  }
0x1c0: {  	p0 =	seq.s32 s25, $0x9;
	[sflag:s23] =	ssyncset.done $0x0  }
0x1c1: {  	s4 =	smul.u32 @!p0 $0xA00, s25;
	s1 =	simm.s32 @!p0 $0x6;
	[sflag:s23] =	ssyncadd.s32 $0xFFFFC000  }
0x1c2: {  	_ =	swait.ge @!p0 [sflag:s1], $0x4000  }
0x1c3: {  	s5 =	simm.s32 @!p0 $0x8000;
	s20 =	sshra.s32 @!p0 s4, $0x2;
	[sflag:s1] =	ssyncset.done @!p0 $0x0  }
0x1c4: {  	s4 =	simm.s32 @!p0 $0x80;
	[sflag:s1] =	ssyncadd.s32 @!p0 $0xFFFFC000;
	s1 =	sadd.s32 @!p0 $0x6680, s20  }
0x1c5: {  	[tilespmem:s5], [sflag:$0x1] =	stream.indirect.gather @!p0 [hbm4b:s2+s4], $0x80, s1, s4, $0xb8;
	[tilespmem:$0x1C000] =	vst v63  }
0x1c6: {  	s29 =	smov.u32 s2;
	s2 =	sadd.s32 $0xFFFFFFFC, s15  }
0x1c7: {  	s6 =	simm.s32 $0xFFFF9B80;
	s16 =	sadd.s32 $0x106, s2  }
0x1c8: {  	s1 =	sadd.s32 s0, s13;
	s19 =	sadd.s32 $0x105, s2;
	p1 =	sgt.u32 s16, $0xC7  }
0x1c9: {  	p2 =	sgt.u32 s19, $0xC7;
	s16 =	simm.s32 $0xFFFF9B00;
	s6 =	simm.s32 @!p1 $0xFFFFFF80  }
0x1ca: {  	s17 =	sadd.s32 $0x104, s2;
	s16 =	simm.s32 @!p2 $0xFFFFFF00;
	s21 =	sadd.s32 s6, s1  }
0x1cb: {  	p1 =	sgt.u32 s17, $0xC7;
	s6 =	simm.s32 $0xFFFF9A80;
	s22 =	sadd.s32 s16, s1;
	v0 =	vld [tilespmem:s21+$0x0]  }
0x1cc: {  	s4 =	sadd.s32 $0x107, s2;
	s6 =	simm.s32 @!p1 $0xFFFFFE80;
	v2 =	vld [tilespmem:s22+$0x0]  }
0x1cd: {  	s16 =	sadd.s32 $0xFFFF9C00, s1;
	p1 =	sgt.u32 s4, $0xC7;
	s6 =	sadd.s32 s6, s1  }
0x1ce: {  	s1 =	smov.u32 @p1 s16;
	v1 =	vld [tilespmem:s6+$0x0]  }
0x1cf: {  	s16 =	simm.s32 $0x101F0;
	v3 =	vld [tilespmem:s1+$0x0]  }
0x1d0: {  	[tilespmem:s16+$0xFFFFFF10] =	vst.add.f32.msk $0xffff, v0  }
0x1d1: {  	[tilespmem:s16+$0xFFFFFE90] =	vst.add.f32.msk $0xffff, v2  }
0x1d2: {  	v0 =	vld [tilespmem:s21+$0x10]  }
0x1d3: {  	v2 =	vld [tilespmem:s22+$0x10]  }
0x1d4: {  	[tilespmem:s16+$0xFFFFFE10] =	vst.add.f32.msk $0xffff, v1  }
0x1d5: {  	[tilespmem:s16+$0xFFFFFF90] =	vst.add.f32.msk $0xffff, v3  }
0x1d6: {  	v1 =	vld [tilespmem:s6+$0x10]  }
0x1d7: {  	v3 =	vld [tilespmem:s1+$0x10]  }
0x1d8: {  	[tilespmem:s16+$0xFFFFFF20] =	vst.add.f32.msk $0xffff, v0  }
0x1d9: {  	[tilespmem:s16+$0xFFFFFEA0] =	vst.add.f32.msk $0xffff, v2  }
0x1da: {  	v0 =	vld [tilespmem:s21+$0x20]  }
0x1db: {  	v2 =	vld [tilespmem:s22+$0x20]  }
0x1dc: {  	[tilespmem:s16+$0xFFFFFE20] =	vst.add.f32.msk $0xffff, v1  }
0x1dd: {  	[tilespmem:s16+$0xFFFFFFA0] =	vst.add.f32.msk $0xffff, v3  }
0x1de: {  	v1 =	vld [tilespmem:s6+$0x20]  }
0x1df: {  	v3 =	vld [tilespmem:s1+$0x20]  }
0x1e0: {  	[tilespmem:s16+$0xFFFFFF30] =	vst.add.f32.msk $0xffff, v0  }
0x1e1: {  	[tilespmem:s16+$0xFFFFFEB0] =	vst.add.f32.msk $0xffff, v2  }
0x1e2: {  	v0 =	vld [tilespmem:s21+$0x30]  }
0x1e3: {  	v2 =	vld [tilespmem:s22+$0x30]  }
0x1e4: {  	[tilespmem:s16+$0xFFFFFE30] =	vst.add.f32.msk $0xffff, v1  }
0x1e5: {  	[tilespmem:s16+$0xFFFFFFB0] =	vst.add.f32.msk $0xffff, v3  }
0x1e6: {  	v1 =	vld [tilespmem:s6+$0x30]  }
0x1e7: {  	v3 =	vld [tilespmem:s1+$0x30]  }
0x1e8: {  	[tilespmem:s16+$0xFFFFFF40] =	vst.add.f32.msk $0xffff, v0  }
0x1e9: {  	[tilespmem:s16+$0xFFFFFEC0] =	vst.add.f32.msk $0xffff, v2  }
0x1ea: {  	v0 =	vld [tilespmem:s21+$0x40]  }
0x1eb: {  	v2 =	vld [tilespmem:s22+$0x40]  }
0x1ec: {  	[tilespmem:s16+$0xFFFFFE40] =	vst.add.f32.msk $0xffff, v1  }
0x1ed: {  	[tilespmem:s16+$0xFFFFFFC0] =	vst.add.f32.msk $0xffff, v3  }
0x1ee: {  	v1 =	vld [tilespmem:s6+$0x40]  }
0x1ef: {  	v3 =	vld [tilespmem:s1+$0x40]  }
0x1f0: {  	[tilespmem:s16+$0xFFFFFF50] =	vst.add.f32.msk $0xffff, v0  }
0x1f1: {  	s5 =	sadd.s32 $0x0, s15;
	[tilespmem:s16+$0xFFFFFED0] =	vst.add.f32.msk $0xffff, v2  }
0x1f2: {  	s2 =	sadd.s32 $0x105, s5;
	v0 =	vld [tilespmem:s21+$0x50]  }
0x1f3: {  	s17 =	sadd.s32 $0x106, s5;
	p2 =	sgt.u32 s2, $0xC7;
	[tilespmem:s16+$0xFFFFFE50] =	vst.add.f32.msk $0xffff, v1  }
0x1f4: {  	s4 =	simm.s32 $0xFFFF9B00;
	p1 =	sgt.u32 s17, $0xC7;
	s17 =	sadd.s32 $0x200, s0;
	[tilespmem:s16+$0xFFFFFFD0] =	vst.add.f32.msk $0xffff, v3  }
0x1f5: {  	s4 =	simm.s32 @!p2 $0xFFFFFF00;
	s19 =	sadd.s32 s17, s13;
	v1 =	vld [tilespmem:s22+$0x50]  }
0x1f6: {  	s4 =	sadd.s32 s4, s19;
	v2 =	vld [tilespmem:s1+$0x50]  }
0x1f7: {  	v4 =	vld [tilespmem:s4+$0x0]  }
0x1f8: {  	[tilespmem:s16+$0xFFFFFF60] =	vst.add.f32.msk $0xffff, v0  }
0x1f9: {  	v0 =	vld [tilespmem:s21+$0x60]  }
0x1fa: {  	[tilespmem:s16+$0xFFFFFEE0] =	vst.add.f32.msk $0xffff, v1  }
0x1fb: {  	[tilespmem:s16+$0xFFFFFFE0] =	vst.add.f32.msk $0xffff, v2  }
0x1fc: {  	v1 =	vld [tilespmem:s22+$0x60]  }
0x1fd: {  	v2 =	vld [tilespmem:s1+$0x60]  }
0x1fe: {  	[tilespmem:s16+$0xFFFFFF70] =	vst.add.f32.msk $0xffff, v0  }
0x1ff: {  	v0 =	vld [tilespmem:s6+$0x50]  }
0x200: {  	v3 =	vld [tilespmem:s21+$0x70]  }
0x201: {  	[tilespmem:s16+$0xFFFFFEF0] =	vst.add.f32.msk $0xffff, v1;
	s21 =	simm.s32 $0xFFFF9B80  }
0x202: {  	s23 =	sadd.s32 $0x104, s5;
	[tilespmem:s16+$0xFFFFFFF0] =	vst.add.f32.msk $0xffff, v2;
	s21 =	simm.s32 @!p1 $0xFFFFFF80  }
0x203: {  	v1 =	vld [tilespmem:s22+$0x70];
	p1 =	sgt.u32 s23, $0xC7;
	s23 =	sadd.s32 s21, s19  }
0x204: {  	s21 =	simm.s32 $0x103F0;
	v2 =	vld [tilespmem:s23+$0x0]  }
0x205: {  	[tilespmem:s21+$0xFFFFFE90] =	vst.add.f32.msk $0xffff, v4  }
0x206: {  	[tilespmem:s16+$0xFFFFFE60] =	vst.add.f32.msk $0xffff, v0  }
0x207: {  	v4 =	vld [tilespmem:s4+$0x10]  }
0x208: {  	v0 =	vld [tilespmem:s6+$0x60]  }
0x209: {  	[tilespmem:s16+$0xFFFFFF80] =	vst.add.f32.msk $0xffff, v3  }
0x20a: {  	[tilespmem:s21+$0xFFFFFF10] =	vst.add.f32.msk $0xffff, v2  }
0x20b: {  	v2 =	vld [tilespmem:s23+$0x10]  }
0x20c: {  	[tilespmem:s21+$0xFFFFFEA0] =	vst.add.f32.msk $0xffff, v4  }
0x20d: {  	[tilespmem:s16+$0xFFFFFE70] =	vst.add.f32.msk $0xffff, v0  }
0x20e: {  	s5 =	sadd.s32 $0x107, s5;
	v0 =	vld [tilespmem:s1+$0x70];
	s1 =	simm.s32 $0xFFFF9A80  }
0x20f: {  	v4 =	vld [tilespmem:s4+$0x20];
	s1 =	simm.s32 @!p1 $0xFFFFFE80;
	p1 =	sgt.u32 s5, $0xC7;
	s5 =	sadd.s32 $0xFFFF9C00, s19  }
0x210: {  	v3 =	vld [tilespmem:s6+$0x70];
	s1 =	sadd.s32 s1, s19;
	s19 =	smov.u32 @p1 s5  }
0x211: {  	v5 =	vld [tilespmem:s19+$0x0]  }
0x212: {  	[tilespmem:s21+$0xFFFFFF20] =	vst.add.f32.msk $0xffff, v2  }
0x213: {  	v2 =	vld [tilespmem:s23+$0x20]  }
0x214: {  	[tilespmem:s21+$0xFFFFFEB0] =	vst.add.f32.msk $0xffff, v4  }
0x215: {  	[tilespmem:s16+$0xFFFFFE80] =	vst.add.f32.msk $0xffff, v3  }
0x216: {  	v3 =	vld [tilespmem:s1+$0x0]  }
0x217: {  	v4 =	vld [tilespmem:s4+$0x30]  }
0x218: {  	[tilespmem:s21+$0xFFFFFF90] =	vst.add.f32.msk $0xffff, v5  }
0x219: {  	v5 =	vld [tilespmem:s19+$0x10]  }
0x21a: {  	[tilespmem:s21+$0xFFFFFF30] =	vst.add.f32.msk $0xffff, v2  }
0x21b: {  	[tilespmem:s21+$0xFFFFFE10] =	vst.add.f32.msk $0xffff, v3  }
0x21c: {  	v2 =	vld [tilespmem:s23+$0x30]  }
0x21d: {  	[tilespmem:s21+$0xFFFFFEC0] =	vst.add.f32.msk $0xffff, v4  }
0x21e: {  	v3 =	vld [tilespmem:s1+$0x10]  }
0x21f: {  	[tilespmem:s21+$0xFFFFFFA0] =	vst.add.f32.msk $0xffff, v5  }
0x220: {  	v5 =	vld [tilespmem:s19+$0x20]  }
0x221: {  	[tilespmem:s21+$0xFFFFFF40] =	vst.add.f32.msk $0xffff, v2  }
0x222: {  	v2 =	vld [tilespmem:s23+$0x40]  }
0x223: {  	[tilespmem:s21+$0xFFFFFE20] =	vst.add.f32.msk $0xffff, v3  }
0x224: {  	v3 =	vld [tilespmem:s1+$0x20]  }
0x225: {  	[tilespmem:s21+$0xFFFFFFB0] =	vst.add.f32.msk $0xffff, v5  }
0x226: {  	v5 =	vld [tilespmem:s19+$0x30]  }
0x227: {  	[tilespmem:s21+$0xFFFFFF50] =	vst.add.f32.msk $0xffff, v2  }
0x228: {  	v2 =	vld [tilespmem:s23+$0x50]  }
0x229: {  	v4 =	vld [tilespmem:s4+$0x40]  }
0x22a: {  	[tilespmem:s21+$0xFFFFFE30] =	vst.add.f32.msk $0xffff, v3  }
0x22b: {  	v3 =	vld [tilespmem:s1+$0x30]  }
0x22c: {  	[tilespmem:s21+$0xFFFFFFC0] =	vst.add.f32.msk $0xffff, v5  }
0x22d: {  	[tilespmem:s21+$0xFFFFFF60] =	vst.add.f32.msk $0xffff, v2  }
0x22e: {  	v2 =	vld [tilespmem:s23+$0x60]  }
0x22f: {  	v5 =	vld [tilespmem:s19+$0x40]  }
0x230: {  	[tilespmem:s21+$0xFFFFFE40] =	vst.add.f32.msk $0xffff, v3  }
0x231: {  	v3 =	vld [tilespmem:s1+$0x40]  }
0x232: {  	[tilespmem:s21+$0xFFFFFED0] =	vst.add.f32.msk $0xffff, v4  }
0x233: {  	[tilespmem:s21+$0xFFFFFF70] =	vst.add.f32.msk $0xffff, v2  }
0x234: {  	v2 =	vld [tilespmem:s23+$0x70]  }
0x235: {  	[tilespmem:s21+$0xFFFFFFD0] =	vst.add.f32.msk $0xffff, v5  }
0x236: {  	[tilespmem:s21+$0xFFFFFE50] =	vst.add.f32.msk $0xffff, v3  }
0x237: {  	v3 =	vld [tilespmem:s1+$0x50]  }
0x238: {  	v4 =	vld [tilespmem:s19+$0x50]  }
0x239: {  	[tilespmem:s21+$0xFFFFFF80] =	vst.add.f32.msk $0xffff, v2  }
0x23a: {  	v2 =	vld [tilespmem:s4+$0x50]  }
0x23b: {  	[tilespmem:s16+$0xFFFFFF00] =	vst.add.f32.msk $0xffff, v1  }
0x23c: {  	[tilespmem:s21+$0xFFFFFE60] =	vst.add.f32.msk $0xffff, v3  }
0x23d: {  	v1 =	vld [tilespmem:s1+$0x60]  }
0x23e: {  	[tilespmem:s21+$0xFFFFFFE0] =	vst.add.f32.msk $0xffff, v4  }
0x23f: {  	[tilespmem:s21+$0xFFFFFEE0] =	vst.add.f32.msk $0xffff, v2  }
0x240: {  	v2 =	vld [tilespmem:s19+$0x60]  }
0x241: {  	v3 =	vld [tilespmem:s4+$0x60]  }
0x242: {  	[tilespmem:s21+$0xFFFFFE70] =	vst.add.f32.msk $0xffff, v1  }
0x243: {  	s18 =	sadd.s32 $0x100, s18;
	s5 =	simm.s32 $0x4;
	v1 =	vld [tilespmem:s1+$0x70]  }
.LBB2_7:
0x244: {  	s1 =	sadd.s32 s5, s15  }
0x245: {  	s5 =	sadd.s32 $0x4, s5;
	[tilespmem:s16+$0x0] =	vst.add.f32.msk $0xffff, v0;
	s16 =	smov.u32 s21;
	s17 =	sadd.s32 $0x200, s17  }
0x246: {  	s6 =	sadd.s32 $0x104, s1;
	s22 =	sadd.s32 $0x106, s1;
	p1 =	slt.u32 s5, $0x7C  }
0x247: {  	[tilespmem:s21+$0xFFFFFEF0] =	vst.add.f32.msk $0xffff, v3;
	s23 =	sadd.s32 $0x105, s1;
	s1 =	sadd.s32 $0x107, s1;
	p2 =	sgt.u32 s22, $0xC7  }
0x248: {  	[tilespmem:s21+$0xFFFFFFF0] =	vst.add.f32.msk $0xffff, v2;
	p3 =	sgt.u32 s6, $0xC7;
	s6 =	sadd.s32 s17, s13;
	s22 =	simm.s32 $0xFFFF9B80  }
0x249: {  	s22 =	simm.s32 @!p2 $0xFFFFFF80;
	v2 =	vld [tilespmem:s4+$0x70];
	p2 =	sgt.u32 s23, $0xC7;
	s4 =	simm.s32 $0xFFFF9A80  }
0x24a: {  	s23 =	sadd.s32 $0xFFFF9C00, s6;
	s22 =	sadd.s32 s22, s6;
	v0 =	vld [tilespmem:s19+$0x70];
	s19 =	simm.s32 $0xFFFF9B00  }
0x24b: {  	s4 =	simm.s32 @!p3 $0xFFFFFE80;
	s19 =	simm.s32 @!p2 $0xFFFFFF00;
	v3 =	vld [tilespmem:s22+$0x0];
	p2 =	sgt.u32 s1, $0xC7  }
0x24c: {  	s1 =	sadd.s32 s4, s6;
	s4 =	sadd.s32 s19, s6;
	[tilespmem:s21+$0xFFFFFE80] =	vst.add.f32.msk $0xffff, v1;
	s19 =	smov.u32 s6  }
0x24d: {  	v1 =	vld [tilespmem:s1+$0x0];
	s19 =	smov.u32 @p2 s23  }
0x24e: {  	v4 =	vld [tilespmem:s4+$0x0]  }
0x24f: {  	s21 =	sadd.s32 $0x200, s21;
	v5 =	vld [tilespmem:s19+$0x0]  }
0x250: {  	[tilespmem:s21+$0xFFFFFF10] =	vst.add.f32.msk $0xffff, v3  }
0x251: {  	v3 =	vld [tilespmem:s22+$0x10]  }
0x252: {  	[tilespmem:s21+$0xFFFFFE10] =	vst.add.f32.msk $0xffff, v1  }
0x253: {  	[tilespmem:s21+$0xFFFFFE90] =	vst.add.f32.msk $0xffff, v4  }
0x254: {  	[tilespmem:s21+$0xFFFFFF90] =	vst.add.f32.msk $0xffff, v5  }
0x255: {  	v1 =	vld [tilespmem:s1+$0x10]  }
0x256: {  	[tilespmem:s21+$0xFFFFFF20] =	vst.add.f32.msk $0xffff, v3  }
0x257: {  	v3 =	vld [tilespmem:s22+$0x20]  }
0x258: {  	v4 =	vld [tilespmem:s4+$0x10]  }
0x259: {  	v5 =	vld [tilespmem:s19+$0x10]  }
0x25a: {  	[tilespmem:s21+$0xFFFFFE20] =	vst.add.f32.msk $0xffff, v1  }
0x25b: {  	v1 =	vld [tilespmem:s1+$0x20]  }
0x25c: {  	[tilespmem:s21+$0xFFFFFF30] =	vst.add.f32.msk $0xffff, v3  }
0x25d: {  	v3 =	vld [tilespmem:s22+$0x30]  }
0x25e: {  	[tilespmem:s21+$0xFFFFFEA0] =	vst.add.f32.msk $0xffff, v4  }
0x25f: {  	[tilespmem:s21+$0xFFFFFFA0] =	vst.add.f32.msk $0xffff, v5  }
0x260: {  	v4 =	vld [tilespmem:s4+$0x20]  }
0x261: {  	v5 =	vld [tilespmem:s19+$0x20]  }
0x262: {  	[tilespmem:s21+$0xFFFFFF40] =	vst.add.f32.msk $0xffff, v3  }
0x263: {  	v3 =	vld [tilespmem:s22+$0x40]  }
0x264: {  	[tilespmem:s21+$0xFFFFFE30] =	vst.add.f32.msk $0xffff, v1  }
0x265: {  	[tilespmem:s21+$0xFFFFFEB0] =	vst.add.f32.msk $0xffff, v4  }
0x266: {  	[tilespmem:s21+$0xFFFFFFB0] =	vst.add.f32.msk $0xffff, v5  }
0x267: {  	v1 =	vld [tilespmem:s1+$0x30]  }
0x268: {  	[tilespmem:s21+$0xFFFFFF50] =	vst.add.f32.msk $0xffff, v3  }
0x269: {  	v3 =	vld [tilespmem:s22+$0x50]  }
0x26a: {  	v4 =	vld [tilespmem:s4+$0x30]  }
0x26b: {  	v5 =	vld [tilespmem:s19+$0x30]  }
0x26c: {  	[tilespmem:s21+$0xFFFFFE40] =	vst.add.f32.msk $0xffff, v1  }
0x26d: {  	v1 =	vld [tilespmem:s1+$0x40]  }
0x26e: {  	[tilespmem:s21+$0xFFFFFF60] =	vst.add.f32.msk $0xffff, v3  }
0x26f: {  	v3 =	vld [tilespmem:s22+$0x60]  }
0x270: {  	[tilespmem:s21+$0xFFFFFEC0] =	vst.add.f32.msk $0xffff, v4  }
0x271: {  	[tilespmem:s21+$0xFFFFFFC0] =	vst.add.f32.msk $0xffff, v5  }
0x272: {  	v4 =	vld [tilespmem:s4+$0x40]  }
0x273: {  	v5 =	vld [tilespmem:s19+$0x40]  }
0x274: {  	[tilespmem:s21+$0xFFFFFF70] =	vst.add.f32.msk $0xffff, v3  }
0x275: {  	v3 =	vld [tilespmem:s22+$0x70]  }
0x276: {  	[tilespmem:s21+$0xFFFFFE50] =	vst.add.f32.msk $0xffff, v1  }
0x277: {  	[tilespmem:s21+$0xFFFFFED0] =	vst.add.f32.msk $0xffff, v4  }
0x278: {  	[tilespmem:s21+$0xFFFFFFD0] =	vst.add.f32.msk $0xffff, v5  }
0x279: {  	v1 =	vld [tilespmem:s1+$0x50]  }
0x27a: {  	[tilespmem:s21+$0xFFFFFF80] =	vst.add.f32.msk $0xffff, v3  }
0x27b: {  	v3 =	vld [tilespmem:s4+$0x50]  }
0x27c: {  	v4 =	vld [tilespmem:s19+$0x50]  }
0x27d: {  	[tilespmem:s16+$0xFFFFFF00] =	vst.add.f32.msk $0xffff, v2  }
0x27e: {  	[tilespmem:s21+$0xFFFFFE60] =	vst.add.f32.msk $0xffff, v1  }
0x27f: {  	v1 =	vld [tilespmem:s1+$0x60]  }
0x280: {  	[tilespmem:s21+$0xFFFFFEE0] =	vst.add.f32.msk $0xffff, v3  }
.Ltmp2:
0x281: {  	[tilespmem:s21+$0xFFFFFFE0] =	vst.add.f32.msk $0xffff, v4;
	(pc) =	sbr.rel @p1 .LBB2_7-.Ltmp2, $4  }
0x282: {  	v3 =	vld [tilespmem:s4+$0x60]  }
0x283: {  	v2 =	vld [tilespmem:s19+$0x60]  }
0x284: {  	[tilespmem:s21+$0xFFFFFE70] =	vst.add.f32.msk $0xffff, v1  }
0x285: {  	v1 =	vld [tilespmem:s1+$0x70]  }
0x286: {  	[tilespmem:s16+$0x0] =	vst.add.f32.msk $0xffff, v0  }
0x287: {  	[tilespmem:s21+$0xFFFFFEF0] =	vst.add.f32.msk $0xffff, v3  }
0x288: {  	[tilespmem:s21+$0xFFFFFFF0] =	vst.add.f32.msk $0xffff, v2  }
0x289: {  	v2 =	vld [tilespmem:s4+$0x70]  }
0x28a: {  	v3 =	vld [tilespmem:s19+$0x70]  }
0x28b: {  	[tilespmem:s21+$0xFFFFFE80] =	vst.add.f32.msk $0xffff, v1  }
0x28c: {  	s1 =	rddreg [dreg:$0x5]  }
0x28d: {  	s1 =	sadd.s32 s1, s18  }
0x28e: {  	[tilespmem:s21+$0xFFFFFF00] =	vst.add.f32.msk $0xffff, v2;
	s1 =	sshll.u32 s1, $0x4  }
0x28f: {  	s2 =	simm.s32 $0x10000;
	s17 =	simm.s32 $0x4;
	[tilespmem:s21+$0x0] =	vst.add.f32.msk $0xffff, v3;
	s1 =	sadd.s32 s30, s1  }
0x290: {  	[hbm4b:s1+s3] =	stream.linear.scatter [tilespmem:s2], [sflag:$0x8], $0x4000, $0x38;
	[tilespmem:$0x1C000] =	vst v63  }
0x291: {  	_ =	swait.ge [sflag:s17], $0x4000  }
0x292: {  	s5 =	simm.s32 @!p0 $0xC000;
	s6 =	simm.s32 $0xFFFF9B80;
	[sflag:s17] =	ssyncset.done $0x0  }
0x293: {  	s18 =	sadd.s32 $0xFFFFFFFC, s11;
	s1 =	simm.s32 @!p0 $0x7;
	[sflag:s17] =	ssyncadd.s32 $0xFFFFC000  }
0x294: {  	s4 =	simm.s32 @!p0 $0x80;
	s19 =	sadd.s32 $0x186, s18;
	_ =	swait.ge @!p0 [sflag:s1], $0x4000  }
0x295: {  	s13 =	sadd.s32 $0x185, s18;
	p1 =	sgt.u32 s19, $0xC7;
	[sflag:s1] =	ssyncset.done @!p0 $0x0  }
0x296: {  	p2 =	sgt.u32 s13, $0xC7;
	[sflag:s1] =	ssyncadd.s32 @!p0 $0xFFFFC000;
	s1 =	sadd.s32 @!p0 $0x6700, s20  }
0x297: {  	[tilespmem:s5], [sflag:$0x2] =	stream.indirect.gather @!p0 [hbm4b:s29+s4], $0x80, s1, s4, $0xb8;
	[tilespmem:$0x1C000] =	vst v63  }
0x298: {  	s13 =	simm.s32 $0xFFFF9B00;
	s6 =	simm.s32 @!p1 $0xFFFFFF80;
	s1 =	sadd.s32 s12, s10  }
0x299: {  	s21 =	sadd.s32 $0x184, s18;
	s13 =	simm.s32 @!p2 $0xFFFFFF00;
	s22 =	sadd.s32 s6, s1  }
0x29a: {  	p1 =	sgt.u32 s21, $0xC7;
	s6 =	simm.s32 $0xFFFF9A80;
	s23 =	sadd.s32 s13, s1;
	v0 =	vld [tilespmem:s22+$0x0]  }
0x29b: {  	s4 =	sadd.s32 $0x187, s18;
	s6 =	simm.s32 @!p1 $0xFFFFFE80;
	v2 =	vld [tilespmem:s23+$0x0]  }
0x29c: {  	s13 =	sadd.s32 $0xFFFF9C00, s1;
	p1 =	sgt.u32 s4, $0xC7;
	s6 =	sadd.s32 s6, s1  }
0x29d: {  	s1 =	smov.u32 @p1 s13;
	v1 =	vld [tilespmem:s6+$0x0]  }
0x29e: {  	s13 =	simm.s32 $0x141F0;
	v3 =	vld [tilespmem:s1+$0x0]  }
0x29f: {  	[tilespmem:s13+$0xFFFFFF10] =	vst.add.f32.msk $0xffff, v0  }
0x2a0: {  	[tilespmem:s13+$0xFFFFFE90] =	vst.add.f32.msk $0xffff, v2  }
0x2a1: {  	v0 =	vld [tilespmem:s22+$0x10]  }
0x2a2: {  	v2 =	vld [tilespmem:s23+$0x10]  }
0x2a3: {  	[tilespmem:s13+$0xFFFFFE10] =	vst.add.f32.msk $0xffff, v1  }
0x2a4: {  	[tilespmem:s13+$0xFFFFFF90] =	vst.add.f32.msk $0xffff, v3  }
0x2a5: {  	v1 =	vld [tilespmem:s6+$0x10]  }
0x2a6: {  	v3 =	vld [tilespmem:s1+$0x10]  }
0x2a7: {  	[tilespmem:s13+$0xFFFFFF20] =	vst.add.f32.msk $0xffff, v0  }
0x2a8: {  	[tilespmem:s13+$0xFFFFFEA0] =	vst.add.f32.msk $0xffff, v2  }
0x2a9: {  	v0 =	vld [tilespmem:s22+$0x20]  }
0x2aa: {  	v2 =	vld [tilespmem:s23+$0x20]  }
0x2ab: {  	[tilespmem:s13+$0xFFFFFE20] =	vst.add.f32.msk $0xffff, v1  }
0x2ac: {  	[tilespmem:s13+$0xFFFFFFA0] =	vst.add.f32.msk $0xffff, v3  }
0x2ad: {  	v1 =	vld [tilespmem:s6+$0x20]  }
0x2ae: {  	v3 =	vld [tilespmem:s1+$0x20]  }
0x2af: {  	[tilespmem:s13+$0xFFFFFF30] =	vst.add.f32.msk $0xffff, v0  }
0x2b0: {  	[tilespmem:s13+$0xFFFFFEB0] =	vst.add.f32.msk $0xffff, v2  }
0x2b1: {  	v0 =	vld [tilespmem:s22+$0x30]  }
0x2b2: {  	v2 =	vld [tilespmem:s23+$0x30]  }
0x2b3: {  	[tilespmem:s13+$0xFFFFFE30] =	vst.add.f32.msk $0xffff, v1  }
0x2b4: {  	[tilespmem:s13+$0xFFFFFFB0] =	vst.add.f32.msk $0xffff, v3  }
0x2b5: {  	v1 =	vld [tilespmem:s6+$0x30]  }
0x2b6: {  	v3 =	vld [tilespmem:s1+$0x30]  }
0x2b7: {  	[tilespmem:s13+$0xFFFFFF40] =	vst.add.f32.msk $0xffff, v0  }
0x2b8: {  	[tilespmem:s13+$0xFFFFFEC0] =	vst.add.f32.msk $0xffff, v2  }
0x2b9: {  	v0 =	vld [tilespmem:s22+$0x40]  }
0x2ba: {  	v2 =	vld [tilespmem:s23+$0x40]  }
0x2bb: {  	[tilespmem:s13+$0xFFFFFE40] =	vst.add.f32.msk $0xffff, v1  }
0x2bc: {  	[tilespmem:s13+$0xFFFFFFC0] =	vst.add.f32.msk $0xffff, v3  }
0x2bd: {  	v1 =	vld [tilespmem:s6+$0x40]  }
0x2be: {  	v3 =	vld [tilespmem:s1+$0x40]  }
0x2bf: {  	[tilespmem:s13+$0xFFFFFF50] =	vst.add.f32.msk $0xffff, v0  }
0x2c0: {  	s2 =	sadd.s32 $0x0, s11;
	[tilespmem:s13+$0xFFFFFED0] =	vst.add.f32.msk $0xffff, v2  }
0x2c1: {  	s21 =	sadd.s32 $0x185, s2;
	v0 =	vld [tilespmem:s22+$0x50]  }
0x2c2: {  	s15 =	sadd.s32 $0x186, s2;
	p2 =	sgt.u32 s21, $0xC7;
	[tilespmem:s13+$0xFFFFFE50] =	vst.add.f32.msk $0xffff, v1  }
0x2c3: {  	s4 =	simm.s32 $0xFFFF9B00;
	p1 =	sgt.u32 s15, $0xC7;
	s15 =	sadd.s32 $0x200, s12;
	[tilespmem:s13+$0xFFFFFFD0] =	vst.add.f32.msk $0xffff, v3  }
0x2c4: {  	s4 =	simm.s32 @!p2 $0xFFFFFF00;
	s16 =	sadd.s32 s15, s10;
	v1 =	vld [tilespmem:s23+$0x50]  }
0x2c5: {  	s4 =	sadd.s32 s4, s16;
	v2 =	vld [tilespmem:s1+$0x50]  }
0x2c6: {  	v4 =	vld [tilespmem:s4+$0x0]  }
0x2c7: {  	[tilespmem:s13+$0xFFFFFF60] =	vst.add.f32.msk $0xffff, v0  }
0x2c8: {  	v0 =	vld [tilespmem:s22+$0x60]  }
0x2c9: {  	[tilespmem:s13+$0xFFFFFEE0] =	vst.add.f32.msk $0xffff, v1  }
0x2ca: {  	[tilespmem:s13+$0xFFFFFFE0] =	vst.add.f32.msk $0xffff, v2  }
0x2cb: {  	v1 =	vld [tilespmem:s23+$0x60]  }
0x2cc: {  	v2 =	vld [tilespmem:s1+$0x60]  }
0x2cd: {  	[tilespmem:s13+$0xFFFFFF70] =	vst.add.f32.msk $0xffff, v0  }
0x2ce: {  	v0 =	vld [tilespmem:s6+$0x50]  }
0x2cf: {  	v3 =	vld [tilespmem:s22+$0x70]  }
0x2d0: {  	s17 =	simm.s32 $0xFFFF9B80;
	[tilespmem:s13+$0xFFFFFEF0] =	vst.add.f32.msk $0xffff, v1  }
0x2d1: {  	s17 =	simm.s32 @!p1 $0xFFFFFF80;
	[tilespmem:s13+$0xFFFFFFF0] =	vst.add.f32.msk $0xffff, v2  }
0x2d2: {  	s22 =	sadd.s32 s17, s16;
	v1 =	vld [tilespmem:s23+$0x70]  }
0x2d3: {  	s17 =	simm.s32 $0x143F0;
	v2 =	vld [tilespmem:s22+$0x0]  }
0x2d4: {  	[tilespmem:s17+$0xFFFFFE90] =	vst.add.f32.msk $0xffff, v4  }
0x2d5: {  	v4 =	vld [tilespmem:s4+$0x10]  }
0x2d6: {  	[tilespmem:s13+$0xFFFFFE60] =	vst.add.f32.msk $0xffff, v0  }
0x2d7: {  	v0 =	vld [tilespmem:s6+$0x60]  }
0x2d8: {  	[tilespmem:s13+$0xFFFFFF80] =	vst.add.f32.msk $0xffff, v3  }
0x2d9: {  	[tilespmem:s17+$0xFFFFFF10] =	vst.add.f32.msk $0xffff, v2  }
0x2da: {  	[tilespmem:s13+$0xFFFFFF00] =	vst.add.f32.msk $0xffff, v1  }
0x2db: {  	v2 =	vld [tilespmem:s22+$0x10]  }
0x2dc: {  	[tilespmem:s17+$0xFFFFFEA0] =	vst.add.f32.msk $0xffff, v4  }
0x2dd: {  	v4 =	vld [tilespmem:s4+$0x20]  }
0x2de: {  	s19 =	sadd.s32 $0x184, s2;
	[tilespmem:s13+$0xFFFFFE70] =	vst.add.f32.msk $0xffff, v0  }
0x2df: {  	s5 =	sadd.s32 $0x187, s2;
	p1 =	sgt.u32 s19, $0xC7;
	v0 =	vld [tilespmem:s1+$0x70];
	s1 =	simm.s32 $0xFFFF9A80  }
0x2e0: {  	v3 =	vld [tilespmem:s6+$0x70];
	s1 =	simm.s32 @!p1 $0xFFFFFE80;
	p1 =	sgt.u32 s5, $0xC7;
	s5 =	sadd.s32 $0xFFFF9C00, s16  }
0x2e1: {  	s1 =	sadd.s32 s1, s16;
	s16 =	smov.u32 @p1 s5;
	[tilespmem:s17+$0xFFFFFF20] =	vst.add.f32.msk $0xffff, v2  }
0x2e2: {  	v5 =	vld [tilespmem:s16+$0x0]  }
0x2e3: {  	v2 =	vld [tilespmem:s22+$0x20]  }
0x2e4: {  	[tilespmem:s17+$0xFFFFFEB0] =	vst.add.f32.msk $0xffff, v4  }
0x2e5: {  	v4 =	vld [tilespmem:s4+$0x30]  }
0x2e6: {  	[tilespmem:s13+$0xFFFFFE80] =	vst.add.f32.msk $0xffff, v3  }
0x2e7: {  	v3 =	vld [tilespmem:s1+$0x0]  }
0x2e8: {  	[tilespmem:s17+$0xFFFFFF90] =	vst.add.f32.msk $0xffff, v5  }
0x2e9: {  	[tilespmem:s17+$0xFFFFFF30] =	vst.add.f32.msk $0xffff, v2  }
0x2ea: {  	v5 =	vld [tilespmem:s16+$0x10]  }
0x2eb: {  	v2 =	vld [tilespmem:s22+$0x30]  }
0x2ec: {  	[tilespmem:s17+$0xFFFFFEC0] =	vst.add.f32.msk $0xffff, v4  }
0x2ed: {  	[tilespmem:s17+$0xFFFFFE10] =	vst.add.f32.msk $0xffff, v3  }
0x2ee: {  	v3 =	vld [tilespmem:s1+$0x10]  }
0x2ef: {  	v4 =	vld [tilespmem:s4+$0x40]  }
0x2f0: {  	[tilespmem:s17+$0xFFFFFFA0] =	vst.add.f32.msk $0xffff, v5  }
0x2f1: {  	[tilespmem:s17+$0xFFFFFF40] =	vst.add.f32.msk $0xffff, v2  }
0x2f2: {  	v2 =	vld [tilespmem:s22+$0x40]  }
0x2f3: {  	[tilespmem:s17+$0xFFFFFE20] =	vst.add.f32.msk $0xffff, v3  }
0x2f4: {  	v3 =	vld [tilespmem:s1+$0x20]  }
0x2f5: {  	v5 =	vld [tilespmem:s16+$0x20]  }
0x2f6: {  	[tilespmem:s17+$0xFFFFFED0] =	vst.add.f32.msk $0xffff, v4  }
0x2f7: {  	[tilespmem:s17+$0xFFFFFF50] =	vst.add.f32.msk $0xffff, v2  }
0x2f8: {  	v2 =	vld [tilespmem:s22+$0x50]  }
0x2f9: {  	[tilespmem:s17+$0xFFFFFE30] =	vst.add.f32.msk $0xffff, v3  }
0x2fa: {  	v3 =	vld [tilespmem:s1+$0x30]  }
0x2fb: {  	[tilespmem:s17+$0xFFFFFFB0] =	vst.add.f32.msk $0xffff, v5  }
0x2fc: {  	v5 =	vld [tilespmem:s16+$0x30]  }
0x2fd: {  	[tilespmem:s17+$0xFFFFFF60] =	vst.add.f32.msk $0xffff, v2  }
0x2fe: {  	v2 =	vld [tilespmem:s22+$0x60]  }
0x2ff: {  	[tilespmem:s17+$0xFFFFFE40] =	vst.add.f32.msk $0xffff, v3  }
0x300: {  	v3 =	vld [tilespmem:s1+$0x40]  }
0x301: {  	[tilespmem:s17+$0xFFFFFFC0] =	vst.add.f32.msk $0xffff, v5  }
0x302: {  	v5 =	vld [tilespmem:s16+$0x40]  }
0x303: {  	[tilespmem:s17+$0xFFFFFF70] =	vst.add.f32.msk $0xffff, v2  }
0x304: {  	v2 =	vld [tilespmem:s22+$0x70]  }
0x305: {  	[tilespmem:s17+$0xFFFFFE50] =	vst.add.f32.msk $0xffff, v3  }
0x306: {  	v3 =	vld [tilespmem:s1+$0x50]  }
0x307: {  	[tilespmem:s17+$0xFFFFFFD0] =	vst.add.f32.msk $0xffff, v5  }
0x308: {  	v4 =	vld [tilespmem:s16+$0x50]  }
0x309: {  	[tilespmem:s17+$0xFFFFFF80] =	vst.add.f32.msk $0xffff, v2  }
0x30a: {  	v2 =	vld [tilespmem:s4+$0x50]  }
0x30b: {  	[tilespmem:s17+$0xFFFFFE60] =	vst.add.f32.msk $0xffff, v3  }
0x30c: {  	v1 =	vld [tilespmem:s1+$0x60];
	_ =	sdelay $0x1  }
0x30d: {  	[tilespmem:s17+$0xFFFFFFE0] =	vst.add.f32.msk $0xffff, v4  }
0x30e: {  	[tilespmem:s17+$0xFFFFFEE0] =	vst.add.f32.msk $0xffff, v2  }
0x30f: {  	v2 =	vld [tilespmem:s16+$0x60]  }
0x310: {  	[tilespmem:s17+$0xFFFFFE70] =	vst.add.f32.msk $0xffff, v1  }
0x311: {  	v3 =	vld [tilespmem:s4+$0x60];
	s23 =	rddreg [dreg:$0xb]  }
0x312: {  	s5 =	simm.s32 $0x4;
	v1 =	vld [tilespmem:s1+$0x70];
	s18 =	sshll.u32 s23, $0x7  }
.LBB2_9:
0x313: {  	s1 =	sadd.s32 s5, s11  }
0x314: {  	s5 =	sadd.s32 $0x4, s5;
	[tilespmem:s13+$0x0] =	vst.add.f32.msk $0xffff, v0;
	s13 =	smov.u32 s17;
	s15 =	sadd.s32 $0x200, s15  }
0x315: {  	s6 =	sadd.s32 $0x184, s1;
	s19 =	sadd.s32 $0x186, s1;
	p1 =	slt.u32 s5, $0x7C  }
0x316: {  	[tilespmem:s17+$0xFFFFFEF0] =	vst.add.f32.msk $0xffff, v3;
	s21 =	sadd.s32 $0x185, s1;
	s1 =	sadd.s32 $0x187, s1;
	p2 =	sgt.u32 s19, $0xC7  }
0x317: {  	[tilespmem:s17+$0xFFFFFFF0] =	vst.add.f32.msk $0xffff, v2;
	p3 =	sgt.u32 s6, $0xC7;
	s6 =	sadd.s32 s15, s10;
	s19 =	simm.s32 $0xFFFF9B80  }
0x318: {  	s19 =	simm.s32 @!p2 $0xFFFFFF80;
	v2 =	vld [tilespmem:s4+$0x70];
	p2 =	sgt.u32 s21, $0xC7;
	s4 =	simm.s32 $0xFFFF9A80  }
0x319: {  	s21 =	sadd.s32 $0xFFFF9C00, s6;
	s19 =	sadd.s32 s19, s6;
	v0 =	vld [tilespmem:s16+$0x70];
	s16 =	simm.s32 $0xFFFF9B00  }
0x31a: {  	s4 =	simm.s32 @!p3 $0xFFFFFE80;
	s16 =	simm.s32 @!p2 $0xFFFFFF00;
	v3 =	vld [tilespmem:s19+$0x0];
	p2 =	sgt.u32 s1, $0xC7  }
0x31b: {  	s1 =	sadd.s32 s4, s6;
	s4 =	sadd.s32 s16, s6;
	[tilespmem:s17+$0xFFFFFE80] =	vst.add.f32.msk $0xffff, v1;
	s16 =	smov.u32 s6  }
0x31c: {  	v1 =	vld [tilespmem:s1+$0x0];
	s16 =	smov.u32 @p2 s21  }
0x31d: {  	v4 =	vld [tilespmem:s4+$0x0]  }
0x31e: {  	s17 =	sadd.s32 $0x200, s17;
	v5 =	vld [tilespmem:s16+$0x0]  }
0x31f: {  	[tilespmem:s17+$0xFFFFFF10] =	vst.add.f32.msk $0xffff, v3  }
0x320: {  	v3 =	vld [tilespmem:s19+$0x10]  }
0x321: {  	[tilespmem:s17+$0xFFFFFE10] =	vst.add.f32.msk $0xffff, v1  }
0x322: {  	[tilespmem:s17+$0xFFFFFE90] =	vst.add.f32.msk $0xffff, v4  }
0x323: {  	[tilespmem:s17+$0xFFFFFF90] =	vst.add.f32.msk $0xffff, v5  }
0x324: {  	v1 =	vld [tilespmem:s1+$0x10]  }
0x325: {  	[tilespmem:s17+$0xFFFFFF20] =	vst.add.f32.msk $0xffff, v3  }
0x326: {  	v3 =	vld [tilespmem:s19+$0x20]  }
0x327: {  	v4 =	vld [tilespmem:s4+$0x10]  }
0x328: {  	v5 =	vld [tilespmem:s16+$0x10]  }
0x329: {  	[tilespmem:s17+$0xFFFFFE20] =	vst.add.f32.msk $0xffff, v1  }
0x32a: {  	v1 =	vld [tilespmem:s1+$0x20]  }
0x32b: {  	[tilespmem:s17+$0xFFFFFF30] =	vst.add.f32.msk $0xffff, v3  }
0x32c: {  	v3 =	vld [tilespmem:s19+$0x30]  }
0x32d: {  	[tilespmem:s17+$0xFFFFFEA0] =	vst.add.f32.msk $0xffff, v4  }
0x32e: {  	[tilespmem:s17+$0xFFFFFFA0] =	vst.add.f32.msk $0xffff, v5  }
0x32f: {  	v4 =	vld [tilespmem:s4+$0x20]  }
0x330: {  	v5 =	vld [tilespmem:s16+$0x20]  }
0x331: {  	[tilespmem:s17+$0xFFFFFF40] =	vst.add.f32.msk $0xffff, v3  }
0x332: {  	v3 =	vld [tilespmem:s19+$0x40]  }
0x333: {  	[tilespmem:s17+$0xFFFFFE30] =	vst.add.f32.msk $0xffff, v1  }
0x334: {  	[tilespmem:s17+$0xFFFFFEB0] =	vst.add.f32.msk $0xffff, v4  }
0x335: {  	[tilespmem:s17+$0xFFFFFFB0] =	vst.add.f32.msk $0xffff, v5  }
0x336: {  	v1 =	vld [tilespmem:s1+$0x30]  }
0x337: {  	[tilespmem:s17+$0xFFFFFF50] =	vst.add.f32.msk $0xffff, v3  }
0x338: {  	v3 =	vld [tilespmem:s19+$0x50]  }
0x339: {  	v4 =	vld [tilespmem:s4+$0x30]  }
0x33a: {  	v5 =	vld [tilespmem:s16+$0x30]  }
0x33b: {  	[tilespmem:s17+$0xFFFFFE40] =	vst.add.f32.msk $0xffff, v1  }
0x33c: {  	v1 =	vld [tilespmem:s1+$0x40]  }
0x33d: {  	[tilespmem:s17+$0xFFFFFF60] =	vst.add.f32.msk $0xffff, v3  }
0x33e: {  	v3 =	vld [tilespmem:s19+$0x60]  }
0x33f: {  	[tilespmem:s17+$0xFFFFFEC0] =	vst.add.f32.msk $0xffff, v4  }
0x340: {  	[tilespmem:s17+$0xFFFFFFC0] =	vst.add.f32.msk $0xffff, v5  }
0x341: {  	v4 =	vld [tilespmem:s4+$0x40]  }
0x342: {  	v5 =	vld [tilespmem:s16+$0x40]  }
0x343: {  	[tilespmem:s17+$0xFFFFFF70] =	vst.add.f32.msk $0xffff, v3  }
0x344: {  	v3 =	vld [tilespmem:s19+$0x70]  }
0x345: {  	[tilespmem:s17+$0xFFFFFE50] =	vst.add.f32.msk $0xffff, v1  }
0x346: {  	[tilespmem:s17+$0xFFFFFED0] =	vst.add.f32.msk $0xffff, v4  }
0x347: {  	[tilespmem:s17+$0xFFFFFFD0] =	vst.add.f32.msk $0xffff, v5  }
0x348: {  	v1 =	vld [tilespmem:s1+$0x50]  }
0x349: {  	[tilespmem:s17+$0xFFFFFF80] =	vst.add.f32.msk $0xffff, v3  }
0x34a: {  	v3 =	vld [tilespmem:s4+$0x50]  }
0x34b: {  	v4 =	vld [tilespmem:s16+$0x50]  }
0x34c: {  	[tilespmem:s13+$0xFFFFFF00] =	vst.add.f32.msk $0xffff, v2  }
0x34d: {  	[tilespmem:s17+$0xFFFFFE60] =	vst.add.f32.msk $0xffff, v1  }
0x34e: {  	v1 =	vld [tilespmem:s1+$0x60]  }
0x34f: {  	[tilespmem:s17+$0xFFFFFEE0] =	vst.add.f32.msk $0xffff, v3  }
.Ltmp3:
0x350: {  	[tilespmem:s17+$0xFFFFFFE0] =	vst.add.f32.msk $0xffff, v4;
	(pc) =	sbr.rel @p1 .LBB2_9-.Ltmp3, $4  }
0x351: {  	v3 =	vld [tilespmem:s4+$0x60]  }
0x352: {  	v2 =	vld [tilespmem:s16+$0x60]  }
0x353: {  	[tilespmem:s17+$0xFFFFFE70] =	vst.add.f32.msk $0xffff, v1  }
0x354: {  	v1 =	vld [tilespmem:s1+$0x70]  }
0x355: {  	[tilespmem:s13+$0x0] =	vst.add.f32.msk $0xffff, v0  }
0x356: {  	[tilespmem:s17+$0xFFFFFEF0] =	vst.add.f32.msk $0xffff, v3  }
0x357: {  	[tilespmem:s17+$0xFFFFFFF0] =	vst.add.f32.msk $0xffff, v2  }
0x358: {  	v2 =	vld [tilespmem:s4+$0x70]  }
0x359: {  	v3 =	vld [tilespmem:s16+$0x70]  }
0x35a: {  	[tilespmem:s17+$0xFFFFFE80] =	vst.add.f32.msk $0xffff, v1  }
0x35b: {  	s1 =	rddreg [dreg:$0x5]  }
0x35c: {  	s1 =	sadd.s32 s1, s18  }
0x35d: {  	[tilespmem:s17+$0xFFFFFF00] =	vst.add.f32.msk $0xffff, v2;
	s1 =	sshll.u32 s1, $0x4  }
0x35e: {  	s19 =	simm.s32 $0x14000;
	s11 =	simm.s32 $0x5;
	[tilespmem:s17+$0x0] =	vst.add.f32.msk $0xffff, v3;
	s1 =	sadd.s32 s30, s1  }
0x35f: {  	[hbm4b:s1+s3] =	stream.linear.scatter [tilespmem:s19], [sflag:$0x9], $0x4000, $0x38;
	[tilespmem:$0x1C000] =	vst v63  }
0x360: {  	s5 =	simm.s32 @!p0 $0x10000;
	_ =	swait.ge [sflag:s11], $0x4000  }
0x361: {  	s13 =	sadd.s32 $0xFFFFFFFC, s28;
	s6 =	simm.s32 $0xFFFF9B80;
	[sflag:s11] =	ssyncset.done $0x0  }
0x362: {  	s15 =	sadd.s32 $0x206, s13;
	s1 =	simm.s32 @!p0 $0x8;
	[sflag:s11] =	ssyncadd.s32 $0xFFFFC000  }
0x363: {  	s10 =	sadd.s32 $0x205, s13;
	s4 =	simm.s32 @!p0 $0x80;
	_ =	swait.ge @!p0 [sflag:s1], $0x4000  }
0x364: {  	p1 =	sgt.u32 s10, $0xC7;
	s10 =	simm.s32 $0xFFFF9B00;
	[sflag:s1] =	ssyncset.done @!p0 $0x0  }
0x365: {  	s16 =	sadd.s32 $0x204, s13;
	[sflag:s1] =	ssyncadd.s32 @!p0 $0xFFFFC000;
	s1 =	sadd.s32 @!p0 $0x6780, s20  }
0x366: {  	[tilespmem:s5], [sflag:$0x3] =	stream.indirect.gather @!p0 [hbm4b:s29+s4], $0x80, s1, s4, $0xb8;
	[tilespmem:$0x1C000] =	vst v63  }
0x367: {  	s10 =	simm.s32 @!p1 $0xFFFFFF00;
	s20 =	sadd.s32 $0x0, s28;
	p0 =	sgt.u32 s15, $0xC7  }
0x368: {  	s1 =	sadd.s32 s9, s26;
	s4 =	sadd.s32 $0x207, s13;
	s11 =	sadd.s32 $0x206, s20  }
0x369: {  	s22 =	sadd.s32 $0x205, s20;
	s6 =	simm.s32 @!p0 $0xFFFFFF80;
	s18 =	sadd.s32 s10, s1  }
0x36a: {  	p0 =	sgt.u32 s16, $0xC7;
	s17 =	sadd.s32 s6, s1;
	s6 =	simm.s32 $0xFFFF9A80;
	v2 =	vld [tilespmem:s18+$0x0]  }
0x36b: {  	s10 =	sadd.s32 $0xFFFF9C00, s1;
	p1 =	sgt.u32 s22, $0xC7;
	s6 =	simm.s32 @!p0 $0xFFFFFE80  }
0x36c: {  	v0 =	vld [tilespmem:s17+$0x0];
	p0 =	sgt.u32 s4, $0xC7;
	s4 =	simm.s32 $0xFFFF9B00;
	s6 =	sadd.s32 s6, s1  }
0x36d: {  	s1 =	smov.u32 @p0 s10;
	p0 =	sgt.u32 s11, $0xC7;
	s11 =	sadd.s32 $0x200, s9;
	v1 =	vld [tilespmem:s6+$0x0]  }
0x36e: {  	s10 =	simm.s32 $0x181F0;
	s4 =	simm.s32 @!p1 $0xFFFFFF00;
	v3 =	vld [tilespmem:s1+$0x0];
	s13 =	sadd.s32 s11, s26  }
0x36f: {  	s4 =	sadd.s32 s4, s13;
	[tilespmem:s10+$0xFFFFFE90] =	vst.add.f32.msk $0xffff, v2  }
0x370: {  	v4 =	vld [tilespmem:s4+$0x0]  }
0x371: {  	[tilespmem:s10+$0xFFFFFF10] =	vst.add.f32.msk $0xffff, v0  }
0x372: {  	v2 =	vld [tilespmem:s18+$0x10]  }
0x373: {  	v0 =	vld [tilespmem:s17+$0x10]  }
0x374: {  	[tilespmem:s10+$0xFFFFFE10] =	vst.add.f32.msk $0xffff, v1  }
0x375: {  	s15 =	simm.s32 $0xFFFF9B80;
	[tilespmem:s10+$0xFFFFFF90] =	vst.add.f32.msk $0xffff, v3  }
0x376: {  	s15 =	simm.s32 @!p0 $0xFFFFFF80;
	v1 =	vld [tilespmem:s6+$0x10]  }
0x377: {  	s23 =	sadd.s32 s15, s13;
	s15 =	simm.s32 $0x183F0;
	v3 =	vld [tilespmem:s1+$0x10]  }
0x378: {  	[tilespmem:s15+$0xFFFFFE90] =	vst.add.f32.msk $0xffff, v4  }
0x379: {  	[tilespmem:s10+$0xFFFFFEA0] =	vst.add.f32.msk $0xffff, v2  }
0x37a: {  	v4 =	vld [tilespmem:s4+$0x10]  }
0x37b: {  	[tilespmem:s10+$0xFFFFFF20] =	vst.add.f32.msk $0xffff, v0  }
0x37c: {  	v2 =	vld [tilespmem:s18+$0x20]  }
0x37d: {  	v0 =	vld [tilespmem:s17+$0x20]  }
0x37e: {  	[tilespmem:s10+$0xFFFFFE20] =	vst.add.f32.msk $0xffff, v1  }
0x37f: {  	[tilespmem:s10+$0xFFFFFFA0] =	vst.add.f32.msk $0xffff, v3  }
0x380: {  	v1 =	vld [tilespmem:s6+$0x20]  }
0x381: {  	v3 =	vld [tilespmem:s1+$0x20]  }
0x382: {  	[tilespmem:s15+$0xFFFFFEA0] =	vst.add.f32.msk $0xffff, v4  }
0x383: {  	[tilespmem:s10+$0xFFFFFEB0] =	vst.add.f32.msk $0xffff, v2  }
0x384: {  	v4 =	vld [tilespmem:s4+$0x20]  }
0x385: {  	[tilespmem:s10+$0xFFFFFF30] =	vst.add.f32.msk $0xffff, v0  }
0x386: {  	v2 =	vld [tilespmem:s18+$0x30]  }
0x387: {  	v0 =	vld [tilespmem:s17+$0x30]  }
0x388: {  	[tilespmem:s10+$0xFFFFFE30] =	vst.add.f32.msk $0xffff, v1  }
0x389: {  	[tilespmem:s10+$0xFFFFFFB0] =	vst.add.f32.msk $0xffff, v3  }
0x38a: {  	v1 =	vld [tilespmem:s6+$0x30]  }
0x38b: {  	v3 =	vld [tilespmem:s1+$0x30]  }
0x38c: {  	[tilespmem:s15+$0xFFFFFEB0] =	vst.add.f32.msk $0xffff, v4  }
0x38d: {  	[tilespmem:s10+$0xFFFFFEC0] =	vst.add.f32.msk $0xffff, v2  }
0x38e: {  	v4 =	vld [tilespmem:s4+$0x30]  }
0x38f: {  	[tilespmem:s10+$0xFFFFFF40] =	vst.add.f32.msk $0xffff, v0  }
0x390: {  	v2 =	vld [tilespmem:s18+$0x40]  }
0x391: {  	v0 =	vld [tilespmem:s17+$0x40]  }
0x392: {  	[tilespmem:s10+$0xFFFFFE40] =	vst.add.f32.msk $0xffff, v1  }
0x393: {  	[tilespmem:s10+$0xFFFFFFC0] =	vst.add.f32.msk $0xffff, v3  }
0x394: {  	v1 =	vld [tilespmem:s6+$0x40]  }
0x395: {  	v3 =	vld [tilespmem:s1+$0x40]  }
0x396: {  	[tilespmem:s15+$0xFFFFFEC0] =	vst.add.f32.msk $0xffff, v4  }
0x397: {  	[tilespmem:s10+$0xFFFFFED0] =	vst.add.f32.msk $0xffff, v2  }
0x398: {  	v4 =	vld [tilespmem:s4+$0x40]  }
0x399: {  	[tilespmem:s10+$0xFFFFFF50] =	vst.add.f32.msk $0xffff, v0  }
0x39a: {  	v0 =	vld [tilespmem:s17+$0x50]  }
0x39b: {  	[tilespmem:s10+$0xFFFFFE50] =	vst.add.f32.msk $0xffff, v1  }
0x39c: {  	[tilespmem:s10+$0xFFFFFFD0] =	vst.add.f32.msk $0xffff, v3  }
0x39d: {  	v1 =	vld [tilespmem:s18+$0x50]  }
0x39e: {  	v2 =	vld [tilespmem:s1+$0x50]  }
0x39f: {  	[tilespmem:s10+$0xFFFFFF60] =	vst.add.f32.msk $0xffff, v0  }
0x3a0: {  	v0 =	vld [tilespmem:s17+$0x60]  }
0x3a1: {  	[tilespmem:s15+$0xFFFFFED0] =	vst.add.f32.msk $0xffff, v4  }
0x3a2: {  	[tilespmem:s10+$0xFFFFFEE0] =	vst.add.f32.msk $0xffff, v1  }
0x3a3: {  	[tilespmem:s10+$0xFFFFFFE0] =	vst.add.f32.msk $0xffff, v2  }
0x3a4: {  	v2 =	vld [tilespmem:s1+$0x60]  }
0x3a5: {  	[tilespmem:s10+$0xFFFFFF70] =	vst.add.f32.msk $0xffff, v0  }
0x3a6: {  	v0 =	vld [tilespmem:s6+$0x50]  }
0x3a7: {  	v1 =	vld [tilespmem:s18+$0x60]  }
0x3a8: {  	v3 =	vld [tilespmem:s17+$0x70]  }
0x3a9: {  	[tilespmem:s10+$0xFFFFFFF0] =	vst.add.f32.msk $0xffff, v2  }
0x3aa: {  	v2 =	vld [tilespmem:s23+$0x0]  }
0x3ab: {  	[tilespmem:s10+$0xFFFFFE60] =	vst.add.f32.msk $0xffff, v0  }
0x3ac: {  	v0 =	vld [tilespmem:s6+$0x60]  }
0x3ad: {  	[tilespmem:s10+$0xFFFFFEF0] =	vst.add.f32.msk $0xffff, v1  }
0x3ae: {  	[tilespmem:s10+$0xFFFFFF80] =	vst.add.f32.msk $0xffff, v3  }
0x3af: {  	[tilespmem:s15+$0xFFFFFF10] =	vst.add.f32.msk $0xffff, v2  }
0x3b0: {  	v2 =	vld [tilespmem:s23+$0x10]  }
0x3b1: {  	[tilespmem:s10+$0xFFFFFE70] =	vst.add.f32.msk $0xffff, v0  }
0x3b2: {  	v3 =	vld [tilespmem:s6+$0x70]  }
0x3b3: {  	v1 =	vld [tilespmem:s18+$0x70]  }
0x3b4: {  	s21 =	sadd.s32 $0x204, s20;
	v0 =	vld [tilespmem:s1+$0x70]  }
0x3b5: {  	p0 =	sgt.u32 s21, $0xC7;
	s1 =	simm.s32 $0xFFFF9A80;
	[tilespmem:s15+$0xFFFFFF20] =	vst.add.f32.msk $0xffff, v2  }
0x3b6: {  	s1 =	simm.s32 @!p0 $0xFFFFFE80;
	v2 =	vld [tilespmem:s23+$0x20]  }
0x3b7: {  	s5 =	sadd.s32 $0x207, s20;
	s1 =	sadd.s32 s1, s13;
	[tilespmem:s10+$0xFFFFFE80] =	vst.add.f32.msk $0xffff, v3  }
0x3b8: {  	p0 =	sgt.u32 s5, $0xC7;
	s5 =	sadd.s32 $0xFFFF9C00, s13;
	v3 =	vld [tilespmem:s1+$0x0]  }
0x3b9: {  	[tilespmem:s10+$0xFFFFFF00] =	vst.add.f32.msk $0xffff, v1;
	s13 =	smov.u32 @p0 s5  }
0x3ba: {  	v5 =	vld [tilespmem:s13+$0x0]  }
0x3bb: {  	[tilespmem:s15+$0xFFFFFF30] =	vst.add.f32.msk $0xffff, v2  }
0x3bc: {  	v2 =	vld [tilespmem:s23+$0x30]  }
0x3bd: {  	[tilespmem:s15+$0xFFFFFE10] =	vst.add.f32.msk $0xffff, v3  }
0x3be: {  	v3 =	vld [tilespmem:s1+$0x10]  }
0x3bf: {  	[tilespmem:s15+$0xFFFFFF90] =	vst.add.f32.msk $0xffff, v5  }
0x3c0: {  	v5 =	vld [tilespmem:s13+$0x10]  }
0x3c1: {  	[tilespmem:s15+$0xFFFFFF40] =	vst.add.f32.msk $0xffff, v2  }
0x3c2: {  	v2 =	vld [tilespmem:s23+$0x40]  }
0x3c3: {  	[tilespmem:s15+$0xFFFFFE20] =	vst.add.f32.msk $0xffff, v3  }
0x3c4: {  	v3 =	vld [tilespmem:s1+$0x20]  }
0x3c5: {  	[tilespmem:s15+$0xFFFFFFA0] =	vst.add.f32.msk $0xffff, v5  }
0x3c6: {  	v5 =	vld [tilespmem:s13+$0x20]  }
0x3c7: {  	[tilespmem:s15+$0xFFFFFF50] =	vst.add.f32.msk $0xffff, v2  }
0x3c8: {  	v2 =	vld [tilespmem:s23+$0x50]  }
0x3c9: {  	[tilespmem:s15+$0xFFFFFE30] =	vst.add.f32.msk $0xffff, v3  }
0x3ca: {  	v3 =	vld [tilespmem:s1+$0x30]  }
0x3cb: {  	[tilespmem:s15+$0xFFFFFFB0] =	vst.add.f32.msk $0xffff, v5  }
0x3cc: {  	v5 =	vld [tilespmem:s13+$0x30]  }
0x3cd: {  	[tilespmem:s15+$0xFFFFFF60] =	vst.add.f32.msk $0xffff, v2  }
0x3ce: {  	v2 =	vld [tilespmem:s23+$0x60]  }
0x3cf: {  	[tilespmem:s15+$0xFFFFFE40] =	vst.add.f32.msk $0xffff, v3  }
0x3d0: {  	v3 =	vld [tilespmem:s1+$0x40]  }
0x3d1: {  	[tilespmem:s15+$0xFFFFFFC0] =	vst.add.f32.msk $0xffff, v5  }
0x3d2: {  	v5 =	vld [tilespmem:s13+$0x40]  }
0x3d3: {  	[tilespmem:s15+$0xFFFFFF70] =	vst.add.f32.msk $0xffff, v2  }
0x3d4: {  	v2 =	vld [tilespmem:s23+$0x70]  }
0x3d5: {  	[tilespmem:s15+$0xFFFFFE50] =	vst.add.f32.msk $0xffff, v3  }
0x3d6: {  	v3 =	vld [tilespmem:s1+$0x50]  }
0x3d7: {  	[tilespmem:s15+$0xFFFFFFD0] =	vst.add.f32.msk $0xffff, v5  }
0x3d8: {  	v4 =	vld [tilespmem:s13+$0x50]  }
0x3d9: {  	[tilespmem:s15+$0xFFFFFF80] =	vst.add.f32.msk $0xffff, v2  }
0x3da: {  	v2 =	vld [tilespmem:s4+$0x50]  }
0x3db: {  	[tilespmem:s15+$0xFFFFFE60] =	vst.add.f32.msk $0xffff, v3  }
0x3dc: {  	v1 =	vld [tilespmem:s1+$0x60];
	_ =	sdelay $0x1  }
0x3dd: {  	[tilespmem:s15+$0xFFFFFFE0] =	vst.add.f32.msk $0xffff, v4  }
0x3de: {  	[tilespmem:s15+$0xFFFFFEE0] =	vst.add.f32.msk $0xffff, v2  }
0x3df: {  	v2 =	vld [tilespmem:s13+$0x60]  }
0x3e0: {  	[tilespmem:s15+$0xFFFFFE70] =	vst.add.f32.msk $0xffff, v1  }
0x3e1: {  	v3 =	vld [tilespmem:s4+$0x60];
	s2 =	rddreg [dreg:$0xc]  }
0x3e2: {  	s5 =	simm.s32 $0x4;
	v1 =	vld [tilespmem:s1+$0x70];
	s16 =	sshll.u32 s2, $0x7  }
.LBB2_11:
0x3e3: {  	s1 =	sadd.s32 s5, s28  }
0x3e4: {  	s5 =	sadd.s32 $0x4, s5;
	[tilespmem:s10+$0x0] =	vst.add.f32.msk $0xffff, v0;
	s10 =	smov.u32 s15;
	s11 =	sadd.s32 $0x200, s11  }
0x3e5: {  	s6 =	sadd.s32 $0x204, s1;
	s17 =	sadd.s32 $0x206, s1;
	p0 =	slt.u32 s5, $0x7C  }
0x3e6: {  	[tilespmem:s15+$0xFFFFFEF0] =	vst.add.f32.msk $0xffff, v3;
	s18 =	sadd.s32 $0x205, s1;
	s1 =	sadd.s32 $0x207, s1;
	p1 =	sgt.u32 s17, $0xC7  }
0x3e7: {  	[tilespmem:s15+$0xFFFFFFF0] =	vst.add.f32.msk $0xffff, v2;
	p2 =	sgt.u32 s6, $0xC7;
	s6 =	sadd.s32 s11, s26;
	s17 =	simm.s32 $0xFFFF9B80  }
0x3e8: {  	s17 =	simm.s32 @!p1 $0xFFFFFF80;
	v2 =	vld [tilespmem:s4+$0x70];
	p1 =	sgt.u32 s18, $0xC7;
	s4 =	simm.s32 $0xFFFF9A80  }
0x3e9: {  	s18 =	sadd.s32 $0xFFFF9C00, s6;
	s17 =	sadd.s32 s17, s6;
	v0 =	vld [tilespmem:s13+$0x70];
	s13 =	simm.s32 $0xFFFF9B00  }
0x3ea: {  	s4 =	simm.s32 @!p2 $0xFFFFFE80;
	s13 =	simm.s32 @!p1 $0xFFFFFF00;
	v3 =	vld [tilespmem:s17+$0x0];
	p1 =	sgt.u32 s1, $0xC7  }
0x3eb: {  	s1 =	sadd.s32 s4, s6;
	s4 =	sadd.s32 s13, s6;
	[tilespmem:s15+$0xFFFFFE80] =	vst.add.f32.msk $0xffff, v1;
	s13 =	smov.u32 s6  }
0x3ec: {  	v1 =	vld [tilespmem:s1+$0x0];
	s13 =	smov.u32 @p1 s18  }
0x3ed: {  	v4 =	vld [tilespmem:s4+$0x0]  }
0x3ee: {  	s15 =	sadd.s32 $0x200, s15;
	v5 =	vld [tilespmem:s13+$0x0]  }
0x3ef: {  	[tilespmem:s15+$0xFFFFFF10] =	vst.add.f32.msk $0xffff, v3  }
0x3f0: {  	v3 =	vld [tilespmem:s17+$0x10]  }
0x3f1: {  	[tilespmem:s15+$0xFFFFFE10] =	vst.add.f32.msk $0xffff, v1  }
0x3f2: {  	[tilespmem:s15+$0xFFFFFE90] =	vst.add.f32.msk $0xffff, v4  }
0x3f3: {  	[tilespmem:s15+$0xFFFFFF90] =	vst.add.f32.msk $0xffff, v5  }
0x3f4: {  	v1 =	vld [tilespmem:s1+$0x10]  }
0x3f5: {  	[tilespmem:s15+$0xFFFFFF20] =	vst.add.f32.msk $0xffff, v3  }
0x3f6: {  	v3 =	vld [tilespmem:s17+$0x20]  }
0x3f7: {  	v4 =	vld [tilespmem:s4+$0x10]  }
0x3f8: {  	v5 =	vld [tilespmem:s13+$0x10]  }
0x3f9: {  	[tilespmem:s15+$0xFFFFFE20] =	vst.add.f32.msk $0xffff, v1  }
0x3fa: {  	v1 =	vld [tilespmem:s1+$0x20]  }
0x3fb: {  	[tilespmem:s15+$0xFFFFFF30] =	vst.add.f32.msk $0xffff, v3  }
0x3fc: {  	v3 =	vld [tilespmem:s17+$0x30]  }
0x3fd: {  	[tilespmem:s15+$0xFFFFFEA0] =	vst.add.f32.msk $0xffff, v4  }
0x3fe: {  	[tilespmem:s15+$0xFFFFFFA0] =	vst.add.f32.msk $0xffff, v5  }
0x3ff: {  	v4 =	vld [tilespmem:s4+$0x20]  }
0x400: {  	v5 =	vld [tilespmem:s13+$0x20]  }
0x401: {  	[tilespmem:s15+$0xFFFFFF40] =	vst.add.f32.msk $0xffff, v3  }
0x402: {  	v3 =	vld [tilespmem:s17+$0x40]  }
0x403: {  	[tilespmem:s15+$0xFFFFFE30] =	vst.add.f32.msk $0xffff, v1  }
0x404: {  	[tilespmem:s15+$0xFFFFFEB0] =	vst.add.f32.msk $0xffff, v4  }
0x405: {  	[tilespmem:s15+$0xFFFFFFB0] =	vst.add.f32.msk $0xffff, v5  }
0x406: {  	v1 =	vld [tilespmem:s1+$0x30]  }
0x407: {  	[tilespmem:s15+$0xFFFFFF50] =	vst.add.f32.msk $0xffff, v3  }
0x408: {  	v3 =	vld [tilespmem:s17+$0x50]  }
0x409: {  	v4 =	vld [tilespmem:s4+$0x30]  }
0x40a: {  	v5 =	vld [tilespmem:s13+$0x30]  }
0x40b: {  	[tilespmem:s15+$0xFFFFFE40] =	vst.add.f32.msk $0xffff, v1  }
0x40c: {  	v1 =	vld [tilespmem:s1+$0x40]  }
0x40d: {  	[tilespmem:s15+$0xFFFFFF60] =	vst.add.f32.msk $0xffff, v3  }
0x40e: {  	v3 =	vld [tilespmem:s17+$0x60]  }
0x40f: {  	[tilespmem:s15+$0xFFFFFEC0] =	vst.add.f32.msk $0xffff, v4  }
0x410: {  	[tilespmem:s15+$0xFFFFFFC0] =	vst.add.f32.msk $0xffff, v5  }
0x411: {  	v4 =	vld [tilespmem:s4+$0x40]  }
0x412: {  	v5 =	vld [tilespmem:s13+$0x40]  }
0x413: {  	[tilespmem:s15+$0xFFFFFF70] =	vst.add.f32.msk $0xffff, v3  }
0x414: {  	v3 =	vld [tilespmem:s17+$0x70]  }
0x415: {  	[tilespmem:s15+$0xFFFFFE50] =	vst.add.f32.msk $0xffff, v1  }
0x416: {  	[tilespmem:s15+$0xFFFFFED0] =	vst.add.f32.msk $0xffff, v4  }
0x417: {  	[tilespmem:s15+$0xFFFFFFD0] =	vst.add.f32.msk $0xffff, v5  }
0x418: {  	v1 =	vld [tilespmem:s1+$0x50]  }
0x419: {  	[tilespmem:s15+$0xFFFFFF80] =	vst.add.f32.msk $0xffff, v3  }
0x41a: {  	v3 =	vld [tilespmem:s4+$0x50]  }
0x41b: {  	v4 =	vld [tilespmem:s13+$0x50]  }
0x41c: {  	[tilespmem:s10+$0xFFFFFF00] =	vst.add.f32.msk $0xffff, v2  }
0x41d: {  	[tilespmem:s15+$0xFFFFFE60] =	vst.add.f32.msk $0xffff, v1  }
0x41e: {  	v1 =	vld [tilespmem:s1+$0x60]  }
0x41f: {  	[tilespmem:s15+$0xFFFFFEE0] =	vst.add.f32.msk $0xffff, v3  }
.Ltmp4:
0x420: {  	[tilespmem:s15+$0xFFFFFFE0] =	vst.add.f32.msk $0xffff, v4;
	(pc) =	sbr.rel @p0 .LBB2_11-.Ltmp4, $4  }
0x421: {  	v3 =	vld [tilespmem:s4+$0x60]  }
0x422: {  	v2 =	vld [tilespmem:s13+$0x60]  }
0x423: {  	[tilespmem:s15+$0xFFFFFE70] =	vst.add.f32.msk $0xffff, v1  }
0x424: {  	v1 =	vld [tilespmem:s1+$0x70]  }
0x425: {  	[tilespmem:s10+$0x0] =	vst.add.f32.msk $0xffff, v0  }
0x426: {  	[tilespmem:s15+$0xFFFFFEF0] =	vst.add.f32.msk $0xffff, v3  }
0x427: {  	[tilespmem:s15+$0xFFFFFFF0] =	vst.add.f32.msk $0xffff, v2  }
0x428: {  	v62 =	vld [tilespmem:s4+$0x70]  }
0x429: {  	v63 =	vld [tilespmem:s13+$0x70]  }
0x42a: {  	[tilespmem:s15+$0xFFFFFE80] =	vst.add.f32.msk $0xffff, v1  }
0x42b: {  	s2 =	simm.s32 $0x18000;
	s1 =	rddreg [dreg:$0x5]  }
0x42c: {  	s25 =	sadd.s32 $0x1, s25;
	s24 =	sadd.s32 $0x14000, s24;
	s1 =	sadd.s32 s1, s16  }
0x42d: {  	s8 =	sadd.s32 $0x280, s8;
	p0 =	sne.s32 s25, $0xA;
	[tilespmem:s15+$0xFFFFFF00] =	vst.add.f32.msk $0xffff, v62;
	s1 =	sshll.u32 s1, $0x4  }
.Ltmp5:
0x42e: {  	s7 =	sadd.s32 $0x280, s7;
	[tilespmem:s15+$0x0] =	vst.add.f32.msk $0xffff, v63;
	s1 =	sadd.s32 s30, s1;
	(pc) =	sbr.rel @p0 .LBB2_2-.Ltmp5, $4  }
0x42f: {  	[hbm4b:s1+s3] =	stream.linear.scatter [tilespmem:s2], [sflag:$0xA], $0x4000, $0x38;
	[tilespmem:$0x1C000] =	vst v63  }
0x430: {  	s31 =	sadd.s32 $0x14000, s31;
	s0 =	sadd.s32 $0x14000, s0;
	s6 =	rddreg [dreg:$0x9]  }
0x431: {  	s12 =	sadd.s32 $0x14000, s12;
	s14 =	sadd.s32 $0x280, s14;
	s15 =	rddreg [dreg:$0xa]  }
0x432: {  	s9 =	sadd.s32 $0x14000, s9;
	s6 =	sadd.s32 $0x280, s6;
	s15 =	sadd.s32 $0x280, s15  }
0x433: {  	s0 =	simm.s32 $0x6  }
0x434: {  	_ =	swait.ge [sflag:s0], $0x4000  }
0x435: {  	[sflag:s0] =	ssyncset.done $0x0  }
0x436: {  	s25 =	simm.s32 $0x7;
	[sflag:s0] =	ssyncadd.s32 $0xFFFFC000  }
0x437: {  	_ =	swait.ge [sflag:s25], $0x4000  }
0x438: {  	[sflag:s25] =	ssyncset.done $0x0  }
0x439: {  	s26 =	simm.s32 $0x8;
	[sflag:s25] =	ssyncadd.s32 $0xFFFFC000  }
0x43a: {  	_ =	swait.ge [sflag:s26], $0x4000  }
0x43b: {  	[sflag:s26] =	ssyncset.done $0x0  }
0x43c: {  	s28 =	simm.s32 $0x9;
	[sflag:s26] =	ssyncadd.s32 $0xFFFFC000  }
0x43d: {  	_ =	swait.ge [sflag:s28], $0x4000  }
0x43e: {  	[sflag:s28] =	ssyncset.done $0x0  }
0x43f: {  	s1 =	simm.s32 $0xA;
	[sflag:s28] =	ssyncadd.s32 $0xFFFFC000  }
0x440: {  	_ =	swait.ge [sflag:s1], $0x4000  }
0x441: {  	s2 =	rddreg [dreg:$0x8]  }
0x442: {  	s31 =	rddreg [dreg:$0x7];
	s2 =	sadd.s32 $0x1, s2  }
0x443: {  	p0 =	sne.s32 s2, s31  }
.Ltmp6:
0x444: {  	_ = 	snop;
	(pc) =	sbr.rel @p0 .LBB2_1-.Ltmp6, $3  }
0x445: {  	_ =	sdelay $0x1  }
0x446: {  	[sflag:s1] =	ssyncset.done $0x0  }
0x447: {  	[sflag:s1] =	ssyncadd.s32 $0xFFFFC000  }
0x448: {  	_ =	sfence.sel $0x180000  }
0x449: {  	[bflag:$0x0] =	sbarrier.arrive $0xFFFF  }
0x44a: {  	_ =	strace $0x90000047  }
0x44b: {  	s0 =	stileid.u32;
	[bflag:$0x2] =	sbarrier.arrive $0xFFFF  }
0x44c: {  	p0 =	sne.s32 s0, $0x0;
	s0 =	rddreg [dreg:$0x4]  }
0x44d: {  	s0 =	sadd.s32 @!p0 $0x100000, s0  }
0x44e: {  	[sflag:s0] =	ssyncadd.tile.s32 @!p0 $0x1;
	_ =	shalt  }
.Lfunc_end2:
_tile_overlayer_lowered:
.L_overlay_start_2:
0x44f: {  	(tag) =	ssettag $0x2  }
0x450: {  	s0 =	rddreg [dreg:$0x0];
	s2 =	stileid.u32  }
0x451: {  	s1 =	rddreg [dreg:$0x1];
	p0 =	sne.s32 s2, $0x0  }
0x452: {  	s3 =	rddreg [dreg:$0x2];
	[bflag:$0x3] =	sbarrier.arrive $0xFFFF;
	s2 =	simm.s32 @!p0 $0x1C0B  }
0x453: {  	[timem:s3], [sflag:s2] =	dma.local @!p0 [hbm:s0], s1  }
0x454: {  	s0 =	simm.s32 @!p0 $0xB  }
0x455: {  	_ =	swait.ge @!p0 [sflag:s0], s1  }
0x456: {  	s1 =	ssub.s32 @!p0 $0x0, s1;
	[sflag:s0] =	ssyncset.done @!p0 $0x0  }
0x457: {  	[sflag:s0] =	ssyncadd.s32 @!p0 s1  }
0x458: {  	[bflag:$0x3] =	sbarrier.arrive $0xFFFF  }
0x459: {  	_ =	shalt  }

</sc_bundles>
